<compile_context>
chip_gen: v7x
topology: tpu7x:2x2x1
jax: 0.10.2.dev20260603
libtpu: 0.0.44.dev20260713+nightly
codegen_flags: <defaults>
</compile_context>

<pallas_src>
import functools

import jax
import jax.numpy as jnp
from jax import lax
from jax.experimental import pallas as pl
from jax.experimental.pallas import tpu as pltpu
from jax.experimental.pallas import tpu_sc as plsc

R = 128
N = 32768
NC = 2
NS = 16
L = 16
NW = NC * NS
K = 8

SC_ROWS = 32



def _make_sc_argmin(nrows):
    rows_per_w = nrows // NW
    outer = N // (K * L)

    @functools.partial(
        pl.kernel,
        mesh=plsc.VectorSubcoreMesh(core_axis_name="c", subcore_axis_name="s"),
        out_type=jax.ShapeDtypeStruct((NW * 8,), jnp.int32),
        scratch_types=[
            pltpu.VMEM((2, N), jnp.float32),
            pltpu.VMEM((16,), jnp.int32),
            pltpu.SemaphoreType.DMA,
            pltpu.SemaphoreType.DMA,
        ],
    )
    def sc_argmin(x_hbm, out_hbm, rows_v, res_v, sem0, sem1):
        wid = lax.axis_index("s") * NC + lax.axis_index("c")
        row0 = wid * rows_per_w

        lane = lax.iota(jnp.int32, L)
        res = jnp.zeros((L,), jnp.int32)
        sems = (sem0, sem1)

        def merge(av, ai, bv, bi):
            take = (bv < av) | ((bv == av) & (bi < ai))
            return jnp.where(take, bv, av), jnp.where(take, bi, ai)

        cps = [None, None]
        cps[0] = pltpu.async_copy(x_hbm.at[row0], rows_v.at[0], sems[0])

        for r in range(rows_per_w):
            b = r % 2
            cps[b].wait()
            if r + 1 < rows_per_w:
                nb = (r + 1) % 2
                cps[nb] = pltpu.async_copy(
                    x_hbm.at[row0 + r + 1], rows_v.at[nb], sems[nb]
                )

            buf = rows_v.at[b]

            def body(t, carry):
                bvs, bts = map(list, carry)
                base = t * (K * L)
                tv = jnp.full((L,), t, jnp.int32)
                for j in range(K):
                    v = buf[pl.ds(base + j * L, L)]
                    m = v < bvs[j]
                    bvs[j] = jnp.minimum(v, bvs[j])
                    bts[j] = jnp.where(m, tv, bts[j])
                return tuple(bvs), tuple(bts)

            init = (
                tuple(jnp.full((L,), jnp.inf, jnp.float32) for _ in range(K)),
                tuple(jnp.zeros((L,), jnp.int32) for _ in range(K)),
            )
            bvs, bts = lax.fori_loop(0, outer, body, init)

            bvs, bis = list(bvs), [
                bts[j] * (K * L) + (j * L) + lane for j in range(K)
            ]
            step = 1
            while step < K:
                for j in range(0, K, 2 * step):
                    bvs[j], bis[j] = merge(
                        bvs[j], bis[j], bvs[j + step], bis[j + step]
                    )
                step *= 2
            bestv, besti = bvs[0], bis[0]

            bm = bestv[0]
            bi = besti[0]
            for j in range(1, L):
                v = bestv[j]
                i = besti[j]
                take = (v < bm) | ((v == bm) & (i < bi))
                bm = jnp.where(take, v, bm)
                bi = jnp.where(take, i, bi)
            res = jnp.where(lane == r, bi, res)

        res_v[...] = res
        pltpu.sync_copy(res_v.at[pl.ds(0, 8)], out_hbm.at[pl.ds(wid * 8, 8)])

    return sc_argmin



RBLK = 32
CCHUNK = 512


def _tc_body(xl_ref, xr_ref, o_ref):
    col0 = lax.broadcasted_iota(jnp.int32, (RBLK, CCHUNK), 1)
    half_c = (N // 2) // CCHUNK

    def make_body(ref, coff):
        def body(c, carry):
            bestv, bestt = carry
            v = ref[:, pl.ds(c * CCHUNK, CCHUNK)]
            m = v < bestv
            bestv = jnp.minimum(v, bestv)
            bestt = jnp.where(
                m, jnp.full((RBLK, CCHUNK), c + coff, jnp.int32), bestt
            )
            return bestv, bestt
        return body

    init = (
        jnp.full((RBLK, CCHUNK), jnp.inf, jnp.float32),
        jnp.zeros((RBLK, CCHUNK), jnp.int32),
    )
    carry = lax.fori_loop(0, half_c, make_body(xl_ref, 0), init, unroll=4)
    bestv, bestt = lax.fori_loop(
        0, half_c, make_body(xr_ref, half_c), carry, unroll=4
    )

    besti = bestt * CCHUNK + col0
    mv = jnp.min(bestv, axis=1, keepdims=True)
    cand = jnp.where(bestv == mv, besti, jnp.int32(2**31 - 1))
    o_ref[...] = jnp.min(cand, axis=1).reshape(1, 1, RBLK)


def _make_tc_argmin(row_start, nrows):
    grid = nrows // RBLK
    blk0 = row_start // RBLK
    return pl.pallas_call(
        _tc_body,
        grid=(grid,),
        in_specs=[
            pl.BlockSpec((RBLK, N // 2), lambda i: (i + blk0, 0)),
            pl.BlockSpec((RBLK, N // 2), lambda i: (i + blk0, 1)),
        ],
        out_specs=pl.BlockSpec((1, 1, RBLK), lambda i: (i, 0, 0)),
        out_shape=jax.ShapeDtypeStruct((grid, 1, RBLK), jnp.int32),
    )




def kernel(x):
    parts = []
    if SC_ROWS > 0:
        sc_out = _make_sc_argmin(SC_ROWS)(x)
        rpw = SC_ROWS // NW
        parts.append(sc_out.reshape(NW, 8)[:, :rpw].reshape(SC_ROWS))
    if SC_ROWS < R:
        tc_out = _make_tc_argmin(SC_ROWS, R - SC_ROWS)(x, x)
        parts.append(tc_out.reshape(R - SC_ROWS))
    return parts[0] if len(parts) == 1 else jnp.concatenate(parts)

# --- scband reference (transcript-rebuilt; emitter-appended) ---
"""Pipeline reference for scband-model-new-82643760710253 (READ-ONLY COPY).

The authoritative reference and input builder live on the scoring server;
editing this copy changes nothing except your own understanding.
"""

import jax, jax.numpy as jnp
import numpy as np


def setup_inputs(seed: int = 0) -> dict:
    key = jax.random.key(seed)
    x = jax.random.normal(key, (128, 32768), dtype=jnp.float32)
    return {"x": x}


def reference(x):
    # Faithful translation of the module's forward: argmin along dim=1.
    return jnp.argmin(x, axis=1).astype(jnp.int32)

if __name__ == "__main__":
    import jax
    _d = setup_inputs()
    print(jax.jit(kernel)(*tuple(_d.values())))

</pallas_src>

<mosaic_0001>
#map = affine_map<(d0, d1) -> (0, 0)>
#map1 = affine_map<(d0, d1) -> (0)>
module attributes {stable_mosaic.version = 14 : i64} {
  func.func @sc_argmin(%arg0: i32, %arg1: i32, %arg2: memref<128x32768xf32, #tpu.memory_space<hbm>>, %arg3: memref<256xi32, #tpu.memory_space<hbm>>, %arg4: memref<2x32768xf32, #tpu.memory_space<vmem>>, %arg5: memref<16xi32, #tpu.memory_space<vmem>>, %arg6: memref<!tpu.dma_semaphore, #tpu.memory_space<semaphore_mem>>, %arg7: memref<!tpu.dma_semaphore, #tpu.memory_space<semaphore_mem>>) attributes {dimension_semantics = [#tpu.dimension_semantics<core_parallel>, #tpu.dimension_semantics<subcore_parallel>], iteration_bounds = array<i64: 2, 16>, scalar_prefetch = 0 : i64, scratch_operands = 4 : i64, tpu.core_type = #tpu.core_type<sc_vector_subcore>, window_params = [{transform_indices = #map}, {transform_indices = #map1}]} {
    %mul3A = arith.constant 2 : i32
    %mul3A_0 = arith.muli %arg1, %mul3A : i32
    %add3A = arith.addi %mul3A_0, %arg0 : i32
    %mul3A_1 = arith.constant 1 : i32
    %mul3A_2 = arith.muli %add3A, %mul3A_1 : i32
    %iota3A = tpu.iota {dimensions = array<i32: 0>} : vector<16xi32>
    %broadcast_in_dim3A = arith.constant 0 : i32
    %broadcast_in_dim3A_3 = vector.broadcast %broadcast_in_dim3A : i32 to vector<16xi32>
    %dma_start3A = arith.constant 0 : i32
    %dma_start3A_4 = arith.constant 0 : i32
    %dma_start3A_5 = tpu.memref_slice %arg4[%dma_start3A, %dma_start3A_4] : memref<2x32768xf32, #tpu.memory_space<vmem>> -> memref<1x32768xf32, #tpu.memory_space<vmem>>
    %dma_start3A_6 = tpu.memref_squeeze %dma_start3A_5 : memref<1x32768xf32, #tpu.memory_space<vmem>> -> memref<32768xf32, #tpu.memory_space<vmem>>
    %dma_start3A_7 = arith.constant 0 : i32
    %dma_start3A_8 = tpu.memref_slice %arg2[%mul3A_2, %dma_start3A_7] : memref<128x32768xf32, #tpu.memory_space<hbm>> -> memref<1x32768xf32, #tpu.memory_space<hbm>>
    %dma_start3A_9 = tpu.memref_squeeze %dma_start3A_8 : memref<1x32768xf32, #tpu.memory_space<hbm>> -> memref<32768xf32, #tpu.memory_space<hbm>>
    %dma_start3A_10 = arith.constant 0 : i32
    %dma_start3A_11 = tpu.memref_slice %arg4[%dma_start3A, %dma_start3A_10] : memref<2x32768xf32, #tpu.memory_space<vmem>> -> memref<1x32768xf32, #tpu.memory_space<vmem>>
    %dma_start3A_12 = tpu.memref_squeeze %dma_start3A_11 : memref<1x32768xf32, #tpu.memory_space<vmem>> -> memref<32768xf32, #tpu.memory_space<vmem>>
    %dma_start3A_13 = arith.constant 0 : i32
    %dma_start3A_14 = tpu.memref_slice %arg2[%mul3A_2, %dma_start3A_13] : memref<128x32768xf32, #tpu.memory_space<hbm>> -> memref<1x32768xf32, #tpu.memory_space<hbm>>
    %dma_start3A_15 = tpu.memref_squeeze %dma_start3A_14 : memref<1x32768xf32, #tpu.memory_space<hbm>> -> memref<32768xf32, #tpu.memory_space<hbm>>
    tpu.enqueue_dma source(%dma_start3A_15 : memref<32768xf32, #tpu.memory_space<hbm>>) target(%dma_start3A_12 : memref<32768xf32, #tpu.memory_space<vmem>>) target_semaphore(%arg6 : memref<!tpu.dma_semaphore, #tpu.memory_space<semaphore_mem>>)
    %dma_wait3A = arith.constant 0 : i32
    %dma_wait3A_16 = arith.constant 0 : i32
    %dma_wait3A_17 = tpu.memref_slice %arg4[%dma_wait3A, %dma_wait3A_16] : memref<2x32768xf32, #tpu.memory_space<vmem>> -> memref<1x32768xf32, #tpu.memory_space<vmem>>
    %dma_wait3A_18 = tpu.memref_squeeze %dma_wait3A_17 : memref<1x32768xf32, #tpu.memory_space<vmem>> -> memref<32768xf32, #tpu.memory_space<vmem>>
    %dma_wait3A_19 = arith.constant 0 : i32
    %dma_wait3A_20 = tpu.memref_slice %arg2[%mul3A_2, %dma_wait3A_19] : memref<128x32768xf32, #tpu.memory_space<hbm>> -> memref<1x32768xf32, #tpu.memory_space<hbm>>
    %dma_wait3A_21 = tpu.memref_squeeze %dma_wait3A_20 : memref<1x32768xf32, #tpu.memory_space<hbm>> -> memref<32768xf32, #tpu.memory_space<hbm>>
    %dma_wait3A_22 = arith.constant 0 : i32
    %dma_wait3A_23 = tpu.memref_slice %arg4[%dma_wait3A, %dma_wait3A_22] : memref<2x32768xf32, #tpu.memory_space<vmem>> -> memref<1x32768xf32, #tpu.memory_space<vmem>>
    %dma_wait3A_24 = tpu.memref_squeeze %dma_wait3A_23 : memref<1x32768xf32, #tpu.memory_space<vmem>> -> memref<32768xf32, #tpu.memory_space<vmem>>
    %dma_wait3A_25 = arith.constant 0 : i32
    %dma_wait3A_26 = tpu.memref_slice %arg2[%mul3A_2, %dma_wait3A_25] : memref<128x32768xf32, #tpu.memory_space<hbm>> -> memref<1x32768xf32, #tpu.memory_space<hbm>>
    %dma_wait3A_27 = tpu.memref_squeeze %dma_wait3A_26 : memref<1x32768xf32, #tpu.memory_space<hbm>> -> memref<32768xf32, #tpu.memory_space<hbm>>
    tpu.wait_dma2 semaphore(%arg6 : memref<!tpu.dma_semaphore, #tpu.memory_space<semaphore_mem>>) src(%dma_wait3A_27 : memref<32768xf32, #tpu.memory_space<hbm>>) dst(%dma_wait3A_24 : memref<32768xf32, #tpu.memory_space<vmem>>)
    %broadcast_in_dim3A_28 = arith.constant 0x7F800000 : f32
    %broadcast_in_dim3A_29 = vector.broadcast %broadcast_in_dim3A_28 : f32 to vector<16xf32>
    %broadcast_in_dim3A_30 = arith.constant 0x7F800000 : f32
    %broadcast_in_dim3A_31 = vector.broadcast %broadcast_in_dim3A_30 : f32 to vector<16xf32>
    %broadcast_in_dim3A_32 = arith.constant 0x7F800000 : f32
    %broadcast_in_dim3A_33 = vector.broadcast %broadcast_in_dim3A_32 : f32 to vector<16xf32>
    %broadcast_in_dim3A_34 = arith.constant 0x7F800000 : f32
    %broadcast_in_dim3A_35 = vector.broadcast %broadcast_in_dim3A_34 : f32 to vector<16xf32>
    %broadcast_in_dim3A_36 = arith.constant 0x7F800000 : f32
    %broadcast_in_dim3A_37 = vector.broadcast %broadcast_in_dim3A_36 : f32 to vector<16xf32>
    %broadcast_in_dim3A_38 = arith.constant 0x7F800000 : f32
    %broadcast_in_dim3A_39 = vector.broadcast %broadcast_in_dim3A_38 : f32 to vector<16xf32>
    %broadcast_in_dim3A_40 = arith.constant 0x7F800000 : f32
    %broadcast_in_dim3A_41 = vector.broadcast %broadcast_in_dim3A_40 : f32 to vector<16xf32>
    %broadcast_in_dim3A_42 = arith.constant 0x7F800000 : f32
    %broadcast_in_dim3A_43 = vector.broadcast %broadcast_in_dim3A_42 : f32 to vector<16xf32>
    %broadcast_in_dim3A_44 = arith.constant 0 : i32
    %broadcast_in_dim3A_45 = vector.broadcast %broadcast_in_dim3A_44 : i32 to vector<16xi32>
    %broadcast_in_dim3A_46 = arith.constant 0 : i32
    %broadcast_in_dim3A_47 = vector.broadcast %broadcast_in_dim3A_46 : i32 to vector<16xi32>
    %broadcast_in_dim3A_48 = arith.constant 0 : i32
    %broadcast_in_dim3A_49 = vector.broadcast %broadcast_in_dim3A_48 : i32 to vector<16xi32>
    %broadcast_in_dim3A_50 = arith.constant 0 : i32
    %broadcast_in_dim3A_51 = vector.broadcast %broadcast_in_dim3A_50 : i32 to vector<16xi32>
    %broadcast_in_dim3A_52 = arith.constant 0 : i32
    %broadcast_in_dim3A_53 = vector.broadcast %broadcast_in_dim3A_52 : i32 to vector<16xi32>
    %broadcast_in_dim3A_54 = arith.constant 0 : i32
    %broadcast_in_dim3A_55 = vector.broadcast %broadcast_in_dim3A_54 : i32 to vector<16xi32>
    %broadcast_in_dim3A_56 = arith.constant 0 : i32
    %broadcast_in_dim3A_57 = vector.broadcast %broadcast_in_dim3A_56 : i32 to vector<16xi32>
    %broadcast_in_dim3A_58 = arith.constant 0 : i32
    %broadcast_in_dim3A_59 = vector.broadcast %broadcast_in_dim3A_58 : i32 to vector<16xi32>
    %scan3A = arith.constant 0 : i32
    %scan3A_60 = arith.constant 0 : i32
    %scan3A_61 = arith.constant 256 : i32
    %scan3A_62 = arith.addi %scan3A_60, %scan3A_61 : i32
    %scan3A_63 = arith.constant 1 : i32
    %scan3A_64:16 = scf.for %scan3A_343 = %scan3A_60 to %scan3A_62 step %scan3A_63 iter_args(%scan3A_344 = %broadcast_in_dim3A_29, %scan3A_345 = %broadcast_in_dim3A_31, %scan3A_346 = %broadcast_in_dim3A_33, %scan3A_347 = %broadcast_in_dim3A_35, %scan3A_348 = %broadcast_in_dim3A_37, %scan3A_349 = %broadcast_in_dim3A_39, %scan3A_350 = %broadcast_in_dim3A_41, %scan3A_351 = %broadcast_in_dim3A_43, %scan3A_352 = %broadcast_in_dim3A_45, %scan3A_353 = %broadcast_in_dim3A_47, %scan3A_354 = %broadcast_in_dim3A_49, %scan3A_355 = %broadcast_in_dim3A_51, %scan3A_356 = %broadcast_in_dim3A_53, %scan3A_357 = %broadcast_in_dim3A_55, %scan3A_358 = %broadcast_in_dim3A_57, %scan3A_359 = %broadcast_in_dim3A_59) -> (vector<16xf32>, vector<16xf32>, vector<16xf32>, vector<16xf32>, vector<16xf32>, vector<16xf32>, vector<16xf32>, vector<16xf32>, vector<16xi32>, vector<16xi32>, vector<16xi32>, vector<16xi32>, vector<16xi32>, vector<16xi32>, vector<16xi32>, vector<16xi32>)  : i32 {
      %mul3A_360 = arith.constant 128 : i32
      %mul3A_361 = arith.muli %scan3A_343, %mul3A_360 : i32
      %broadcast_in_dim3A_362 = vector.broadcast %scan3A_343 : i32 to vector<16xi32>
      %add3A_363 = arith.constant 0 : i32
      %add3A_364 = arith.addi %mul3A_361, %add3A_363 : i32
      %get3A = arith.constant 0 : i32
      %get3A_365 = tpu.memref_slice %arg4[%scan3A, %get3A] : memref<2x32768xf32, #tpu.memory_space<vmem>> -> memref<1x32768xf32, #tpu.memory_space<vmem>>
      %get3A_366 = tpu.memref_squeeze %get3A_365 : memref<1x32768xf32, #tpu.memory_space<vmem>> -> memref<32768xf32, #tpu.memory_space<vmem>>
      %get3A_367 = arith.index_cast %add3A_364 : i32 to index
      %get3A_368 = tpu.vector_load %get3A_366[%get3A_367] {strides = array<i32>} : memref<32768xf32, #tpu.memory_space<vmem>>, vector<16xf32>,
      %get3A_369 = vector.shape_cast %get3A_368 : vector<16xf32> to vector<16xf32>
      %lt3A_370 = arith.cmpf olt, %get3A_369, %scan3A_344 : vector<16xf32>
      %min3A = arith.minimumf %get3A_369, %scan3A_344 : vector<16xf32>
      %select_n3A_371 = arith.select %lt3A_370, %broadcast_in_dim3A_362, %scan3A_352 : vector<16xi1>, vector<16xi32>
      %add3A_372 = arith.constant 16 : i32
      %add3A_373 = arith.addi %mul3A_361, %add3A_372 : i32
      %get3A_374 = arith.constant 0 : i32
      %get3A_375 = tpu.memref_slice %arg4[%scan3A, %get3A_374] : memref<2x32768xf32, #tpu.memory_space<vmem>> -> memref<1x32768xf32, #tpu.memory_space<vmem>>
      %get3A_376 = tpu.memref_squeeze %get3A_375 : memref<1x32768xf32, #tpu.memory_space<vmem>> -> memref<32768xf32, #tpu.memory_space<vmem>>
      %get3A_377 = arith.index_cast %add3A_373 : i32 to index
      %get3A_378 = tpu.vector_load %get3A_376[%get3A_377] {strides = array<i32>} : memref<32768xf32, #tpu.memory_space<vmem>>, vector<16xf32>,
      %get3A_379 = vector.shape_cast %get3A_378 : vector<16xf32> to vector<16xf32>
      %lt3A_380 = arith.cmpf olt, %get3A_379, %scan3A_345 : vector<16xf32>
      %min3A_381 = arith.minimumf %get3A_379, %scan3A_345 : vector<16xf32>
      %select_n3A_382 = arith.select %lt3A_380, %broadcast_in_dim3A_362, %scan3A_353 : vector<16xi1>, vector<16xi32>
      %add3A_383 = arith.constant 32 : i32
      %add3A_384 = arith.addi %mul3A_361, %add3A_383 : i32
      %get3A_385 = arith.constant 0 : i32
      %get3A_386 = tpu.memref_slice %arg4[%scan3A, %get3A_385] : memref<2x32768xf32, #tpu.memory_space<vmem>> -> memref<1x32768xf32, #tpu.memory_space<vmem>>
      %get3A_387 = tpu.memref_squeeze %get3A_386 : memref<1x32768xf32, #tpu.memory_space<vmem>> -> memref<32768xf32, #tpu.memory_space<vmem>>
      %get3A_388 = arith.index_cast %add3A_384 : i32 to index
      %get3A_389 = tpu.vector_load %get3A_387[%get3A_388] {strides = array<i32>} : memref<32768xf32, #tpu.memory_space<vmem>>, vector<16xf32>,
      %get3A_390 = vector.shape_cast %get3A_389 : vector<16xf32> to vector<16xf32>
      %lt3A_391 = arith.cmpf olt, %get3A_390, %scan3A_346 : vector<16xf32>
      %min3A_392 = arith.minimumf %get3A_390, %scan3A_346 : vector<16xf32>
      %select_n3A_393 = arith.select %lt3A_391, %broadcast_in_dim3A_362, %scan3A_354 : vector<16xi1>, vector<16xi32>
      %add3A_394 = arith.constant 48 : i32
      %add3A_395 = arith.addi %mul3A_361, %add3A_394 : i32
      %get3A_396 = arith.constant 0 : i32
      %get3A_397 = tpu.memref_slice %arg4[%scan3A, %get3A_396] : memref<2x32768xf32, #tpu.memory_space<vmem>> -> memref<1x32768xf32, #tpu.memory_space<vmem>>
      %get3A_398 = tpu.memref_squeeze %get3A_397 : memref<1x32768xf32, #tpu.memory_space<vmem>> -> memref<32768xf32, #tpu.memory_space<vmem>>
      %get3A_399 = arith.index_cast %add3A_395 : i32 to index
      %get3A_400 = tpu.vector_load %get3A_398[%get3A_399] {strides = array<i32>} : memref<32768xf32, #tpu.memory_space<vmem>>, vector<16xf32>,
      %get3A_401 = vector.shape_cast %get3A_400 : vector<16xf32> to vector<16xf32>
      %lt3A_402 = arith.cmpf olt, %get3A_401, %scan3A_347 : vector<16xf32>
      %min3A_403 = arith.minimumf %get3A_401, %scan3A_347 : vector<16xf32>
      %select_n3A_404 = arith.select %lt3A_402, %broadcast_in_dim3A_362, %scan3A_355 : vector<16xi1>, vector<16xi32>
      %add3A_405 = arith.constant 64 : i32
      %add3A_406 = arith.addi %mul3A_361, %add3A_405 : i32
      %get3A_407 = arith.constant 0 : i32
      %get3A_408 = tpu.memref_slice %arg4[%scan3A, %get3A_407] : memref<2x32768xf32, #tpu.memory_space<vmem>> -> memref<1x32768xf32, #tpu.memory_space<vmem>>
      %get3A_409 = tpu.memref_squeeze %get3A_408 : memref<1x32768xf32, #tpu.memory_space<vmem>> -> memref<32768xf32, #tpu.memory_space<vmem>>
      %get3A_410 = arith.index_cast %add3A_406 : i32 to index
      %get3A_411 = tpu.vector_load %get3A_409[%get3A_410] {strides = array<i32>} : memref<32768xf32, #tpu.memory_space<vmem>>, vector<16xf32>,
      %get3A_412 = vector.shape_cast %get3A_411 : vector<16xf32> to vector<16xf32>
      %lt3A_413 = arith.cmpf olt, %get3A_412, %scan3A_348 : vector<16xf32>
      %min3A_414 = arith.minimumf %get3A_412, %scan3A_348 : vector<16xf32>
      %select_n3A_415 = arith.select %lt3A_413, %broadcast_in_dim3A_362, %scan3A_356 : vector<16xi1>, vector<16xi32>
      %add3A_416 = arith.constant 80 : i32
      %add3A_417 = arith.addi %mul3A_361, %add3A_416 : i32
      %get3A_418 = arith.constant 0 : i32
      %get3A_419 = tpu.memref_slice %arg4[%scan3A, %get3A_418] : memref<2x32768xf32, #tpu.memory_space<vmem>> -> memref<1x32768xf32, #tpu.memory_space<vmem>>
      %get3A_420 = tpu.memref_squeeze %get3A_419 : memref<1x32768xf32, #tpu.memory_space<vmem>> -> memref<32768xf32, #tpu.memory_space<vmem>>
      %get3A_421 = arith.index_cast %add3A_417 : i32 to index
      %get3A_422 = tpu.vector_load %get3A_420[%get3A_421] {strides = array<i32>} : memref<32768xf32, #tpu.memory_space<vmem>>, vector<16xf32>,
      %get3A_423 = vector.shape_cast %get3A_422 : vector<16xf32> to vector<16xf32>
      %lt3A_424 = arith.cmpf olt, %get3A_423, %scan3A_349 : vector<16xf32>
      %min3A_425 = arith.minimumf %get3A_423, %scan3A_349 : vector<16xf32>
      %select_n3A_426 = arith.select %lt3A_424, %broadcast_in_dim3A_362, %scan3A_357 : vector<16xi1>, vector<16xi32>
      %add3A_427 = arith.constant 96 : i32
      %add3A_428 = arith.addi %mul3A_361, %add3A_427 : i32
      %get3A_429 = arith.constant 0 : i32
      %get3A_430 = tpu.memref_slice %arg4[%scan3A, %get3A_429] : memref<2x32768xf32, #tpu.memory_space<vmem>> -> memref<1x32768xf32, #tpu.memory_space<vmem>>
      %get3A_431 = tpu.memref_squeeze %get3A_430 : memref<1x32768xf32, #tpu.memory_space<vmem>> -> memref<32768xf32, #tpu.memory_space<vmem>>
      %get3A_432 = arith.index_cast %add3A_428 : i32 to index
      %get3A_433 = tpu.vector_load %get3A_431[%get3A_432] {strides = array<i32>} : memref<32768xf32, #tpu.memory_space<vmem>>, vector<16xf32>,
      %get3A_434 = vector.shape_cast %get3A_433 : vector<16xf32> to vector<16xf32>
      %lt3A_435 = arith.cmpf olt, %get3A_434, %scan3A_350 : vector<16xf32>
      %min3A_436 = arith.minimumf %get3A_434, %scan3A_350 : vector<16xf32>
      %select_n3A_437 = arith.select %lt3A_435, %broadcast_in_dim3A_362, %scan3A_358 : vector<16xi1>, vector<16xi32>
      %add3A_438 = arith.constant 112 : i32
      %add3A_439 = arith.addi %mul3A_361, %add3A_438 : i32
      %get3A_440 = arith.constant 0 : i32
      %get3A_441 = tpu.memref_slice %arg4[%scan3A, %get3A_440] : memref<2x32768xf32, #tpu.memory_space<vmem>> -> memref<1x32768xf32, #tpu.memory_space<vmem>>
      %get3A_442 = tpu.memref_squeeze %get3A_441 : memref<1x32768xf32, #tpu.memory_space<vmem>> -> memref<32768xf32, #tpu.memory_space<vmem>>
      %get3A_443 = arith.index_cast %add3A_439 : i32 to index
      %get3A_444 = tpu.vector_load %get3A_442[%get3A_443] {strides = array<i32>} : memref<32768xf32, #tpu.memory_space<vmem>>, vector<16xf32>,
      %get3A_445 = vector.shape_cast %get3A_444 : vector<16xf32> to vector<16xf32>
      %lt3A_446 = arith.cmpf olt, %get3A_445, %scan3A_351 : vector<16xf32>
      %min3A_447 = arith.minimumf %get3A_445, %scan3A_351 : vector<16xf32>
      %select_n3A_448 = arith.select %lt3A_446, %broadcast_in_dim3A_362, %scan3A_359 : vector<16xi1>, vector<16xi32>
      scf.yield %min3A, %min3A_381, %min3A_392, %min3A_403, %min3A_414, %min3A_425, %min3A_436, %min3A_447, %select_n3A_371, %select_n3A_382, %select_n3A_393, %select_n3A_404, %select_n3A_415, %select_n3A_426, %select_n3A_437, %select_n3A_448 : vector<16xf32>, vector<16xf32>, vector<16xf32>, vector<16xf32>, vector<16xf32>, vector<16xf32>, vector<16xf32>, vector<16xf32>, vector<16xi32>, vector<16xi32>, vector<16xi32>, vector<16xi32>, vector<16xi32>, vector<16xi32>, vector<16xi32>, vector<16xi32>
    }
    %scan3A_65 = arith.constant 256 : i32
    %mul3A_66 = arith.constant 128 : i32
    %mul3A_67 = vector.broadcast %mul3A_66 : i32 to vector<16xi32>
    %mul3A_68 = arith.muli %scan3A_64#8, %mul3A_67 : vector<16xi32>
    %add3A_69 = arith.constant 0 : i32
    %add3A_70 = vector.broadcast %add3A_69 : i32 to vector<16xi32>
    %add3A_71 = arith.addi %mul3A_68, %add3A_70 : vector<16xi32>
    %add3A_72 = arith.addi %add3A_71, %iota3A : vector<16xi32>
    %mul3A_73 = arith.constant 128 : i32
    %mul3A_74 = vector.broadcast %mul3A_73 : i32 to vector<16xi32>
    %mul3A_75 = arith.muli %scan3A_64#9, %mul3A_74 : vector<16xi32>
    %add3A_76 = arith.constant 16 : i32
    %add3A_77 = vector.broadcast %add3A_76 : i32 to vector<16xi32>
    %add3A_78 = arith.addi %mul3A_75, %add3A_77 : vector<16xi32>
    %add3A_79 = arith.addi %add3A_78, %iota3A : vector<16xi32>
    %mul3A_80 = arith.constant 128 : i32
    %mul3A_81 = vector.broadcast %mul3A_80 : i32 to vector<16xi32>
    %mul3A_82 = arith.muli %scan3A_64#10, %mul3A_81 : vector<16xi32>
    %add3A_83 = arith.constant 32 : i32
    %add3A_84 = vector.broadcast %add3A_83 : i32 to vector<16xi32>
    %add3A_85 = arith.addi %mul3A_82, %add3A_84 : vector<16xi32>
    %add3A_86 = arith.addi %add3A_85, %iota3A : vector<16xi32>
    %mul3A_87 = arith.constant 128 : i32
    %mul3A_88 = vector.broadcast %mul3A_87 : i32 to vector<16xi32>
    %mul3A_89 = arith.muli %scan3A_64#11, %mul3A_88 : vector<16xi32>
    %add3A_90 = arith.constant 48 : i32
    %add3A_91 = vector.broadcast %add3A_90 : i32 to vector<16xi32>
    %add3A_92 = arith.addi %mul3A_89, %add3A_91 : vector<16xi32>
    %add3A_93 = arith.addi %add3A_92, %iota3A : vector<16xi32>
    %mul3A_94 = arith.constant 128 : i32
    %mul3A_95 = vector.broadcast %mul3A_94 : i32 to vector<16xi32>
    %mul3A_96 = arith.muli %scan3A_64#12, %mul3A_95 : vector<16xi32>
    %add3A_97 = arith.constant 64 : i32
    %add3A_98 = vector.broadcast %add3A_97 : i32 to vector<16xi32>
    %add3A_99 = arith.addi %mul3A_96, %add3A_98 : vector<16xi32>
    %add3A_100 = arith.addi %add3A_99, %iota3A : vector<16xi32>
    %mul3A_101 = arith.constant 128 : i32
    %mul3A_102 = vector.broadcast %mul3A_101 : i32 to vector<16xi32>
    %mul3A_103 = arith.muli %scan3A_64#13, %mul3A_102 : vector<16xi32>
    %add3A_104 = arith.constant 80 : i32
    %add3A_105 = vector.broadcast %add3A_104 : i32 to vector<16xi32>
    %add3A_106 = arith.addi %mul3A_103, %add3A_105 : vector<16xi32>
    %add3A_107 = arith.addi %add3A_106, %iota3A : vector<16xi32>
    %mul3A_108 = arith.constant 128 : i32
    %mul3A_109 = vector.broadcast %mul3A_108 : i32 to vector<16xi32>
    %mul3A_110 = arith.muli %scan3A_64#14, %mul3A_109 : vector<16xi32>
    %add3A_111 = arith.constant 96 : i32
    %add3A_112 = vector.broadcast %add3A_111 : i32 to vector<16xi32>
    %add3A_113 = arith.addi %mul3A_110, %add3A_112 : vector<16xi32>
    %add3A_114 = arith.addi %add3A_113, %iota3A : vector<16xi32>
    %mul3A_115 = arith.constant 128 : i32
    %mul3A_116 = vector.broadcast %mul3A_115 : i32 to vector<16xi32>
    %mul3A_117 = arith.muli %scan3A_64#15, %mul3A_116 : vector<16xi32>
    %add3A_118 = arith.constant 112 : i32
    %add3A_119 = vector.broadcast %add3A_118 : i32 to vector<16xi32>
    %add3A_120 = arith.addi %mul3A_117, %add3A_119 : vector<16xi32>
    %add3A_121 = arith.addi %add3A_120, %iota3A : vector<16xi32>
    %lt3A = arith.cmpf olt, %scan3A_64#1, %scan3A_64#0 : vector<16xf32>
    %eq3A = arith.cmpf oeq, %scan3A_64#1, %scan3A_64#0 : vector<16xf32>
    %lt3A_122 = arith.cmpi slt, %add3A_79, %add3A_72 : vector<16xi32>
    %and3A = arith.andi %eq3A, %lt3A_122 : vector<16xi1>
    %or3A = arith.ori %lt3A, %and3A : vector<16xi1>
    %select_n3A = arith.select %or3A, %scan3A_64#1, %scan3A_64#0 : vector<16xi1>, vector<16xf32>
    %select_n3A_123 = arith.select %or3A, %add3A_79, %add3A_72 : vector<16xi1>, vector<16xi32>
    %lt3A_124 = arith.cmpf olt, %scan3A_64#3, %scan3A_64#2 : vector<16xf32>
    %eq3A_125 = arith.cmpf oeq, %scan3A_64#3, %scan3A_64#2 : vector<16xf32>
    %lt3A_126 = arith.cmpi slt, %add3A_93, %add3A_86 : vector<16xi32>
    %and3A_127 = arith.andi %eq3A_125, %lt3A_126 : vector<16xi1>
    %or3A_128 = arith.ori %lt3A_124, %and3A_127 : vector<16xi1>
    %select_n3A_129 = arith.select %or3A_128, %scan3A_64#3, %scan3A_64#2 : vector<16xi1>, vector<16xf32>
    %select_n3A_130 = arith.select %or3A_128, %add3A_93, %add3A_86 : vector<16xi1>, vector<16xi32>
    %lt3A_131 = arith.cmpf olt, %scan3A_64#5, %scan3A_64#4 : vector<16xf32>
    %eq3A_132 = arith.cmpf oeq, %scan3A_64#5, %scan3A_64#4 : vector<16xf32>
    %lt3A_133 = arith.cmpi slt, %add3A_107, %add3A_100 : vector<16xi32>
    %and3A_134 = arith.andi %eq3A_132, %lt3A_133 : vector<16xi1>
    %or3A_135 = arith.ori %lt3A_131, %and3A_134 : vector<16xi1>
    %select_n3A_136 = arith.select %or3A_135, %scan3A_64#5, %scan3A_64#4 : vector<16xi1>, vector<16xf32>
    %select_n3A_137 = arith.select %or3A_135, %add3A_107, %add3A_100 : vector<16xi1>, vector<16xi32>
    %lt3A_138 = arith.cmpf olt, %scan3A_64#7, %scan3A_64#6 : vector<16xf32>
    %eq3A_139 = arith.cmpf oeq, %scan3A_64#7, %scan3A_64#6 : vector<16xf32>
    %lt3A_140 = arith.cmpi slt, %add3A_121, %add3A_114 : vector<16xi32>
    %and3A_141 = arith.andi %eq3A_139, %lt3A_140 : vector<16xi1>
    %or3A_142 = arith.ori %lt3A_138, %and3A_141 : vector<16xi1>
    %select_n3A_143 = arith.select %or3A_142, %scan3A_64#7, %scan3A_64#6 : vector<16xi1>, vector<16xf32>
    %select_n3A_144 = arith.select %or3A_142, %add3A_121, %add3A_114 : vector<16xi1>, vector<16xi32>
    %lt3A_145 = arith.cmpf olt, %select_n3A_129, %select_n3A : vector<16xf32>
    %eq3A_146 = arith.cmpf oeq, %select_n3A_129, %select_n3A : vector<16xf32>
    %lt3A_147 = arith.cmpi slt, %select_n3A_130, %select_n3A_123 : vector<16xi32>
    %and3A_148 = arith.andi %eq3A_146, %lt3A_147 : vector<16xi1>
    %or3A_149 = arith.ori %lt3A_145, %and3A_148 : vector<16xi1>
    %select_n3A_150 = arith.select %or3A_149, %select_n3A_129, %select_n3A : vector<16xi1>, vector<16xf32>
    %select_n3A_151 = arith.select %or3A_149, %select_n3A_130, %select_n3A_123 : vector<16xi1>, vector<16xi32>
    %lt3A_152 = arith.cmpf olt, %select_n3A_143, %select_n3A_136 : vector<16xf32>
    %eq3A_153 = arith.cmpf oeq, %select_n3A_143, %select_n3A_136 : vector<16xf32>
    %lt3A_154 = arith.cmpi slt, %select_n3A_144, %select_n3A_137 : vector<16xi32>
    %and3A_155 = arith.andi %eq3A_153, %lt3A_154 : vector<16xi1>
    %or3A_156 = arith.ori %lt3A_152, %and3A_155 : vector<16xi1>
    %select_n3A_157 = arith.select %or3A_156, %select_n3A_143, %select_n3A_136 : vector<16xi1>, vector<16xf32>
    %select_n3A_158 = arith.select %or3A_156, %select_n3A_144, %select_n3A_137 : vector<16xi1>, vector<16xi32>
    %lt3A_159 = arith.cmpf olt, %select_n3A_157, %select_n3A_150 : vector<16xf32>
    %eq3A_160 = arith.cmpf oeq, %select_n3A_157, %select_n3A_150 : vector<16xf32>
    %lt3A_161 = arith.cmpi slt, %select_n3A_158, %select_n3A_151 : vector<16xi32>
    %and3A_162 = arith.andi %eq3A_160, %lt3A_161 : vector<16xi1>
    %or3A_163 = arith.ori %lt3A_159, %and3A_162 : vector<16xi1>
    %select_n3A_164 = arith.select %or3A_163, %select_n3A_157, %select_n3A_150 : vector<16xi1>, vector<16xf32>
    %select_n3A_165 = arith.select %or3A_163, %select_n3A_158, %select_n3A_151 : vector<16xi1>, vector<16xi32>
    %slice3A = vector.extract_strided_slice %select_n3A_164 {offsets = [0], sizes = [1], strides = [1]} : vector<16xf32> to vector<1xf32>
    %squeeze3A = vector.extract %slice3A[0] : f32 from vector<1xf32>
    %slice3A_166 = vector.extract_strided_slice %select_n3A_165 {offsets = [0], sizes = [1], strides = [1]} : vector<16xi32> to vector<1xi32>
    %squeeze3A_167 = vector.extract %slice3A_166[0] : i32 from vector<1xi32>
    %slice3A_168 = vector.extract_strided_slice %select_n3A_164 {offsets = [1], sizes = [1], strides = [1]} : vector<16xf32> to vector<1xf32>
    %squeeze3A_169 = vector.extract %slice3A_168[0] : f32 from vector<1xf32>
    %slice3A_170 = vector.extract_strided_slice %select_n3A_165 {offsets = [1], sizes = [1], strides = [1]} : vector<16xi32> to vector<1xi32>
    %squeeze3A_171 = vector.extract %slice3A_170[0] : i32 from vector<1xi32>
    %lt3A_172 = arith.cmpf olt, %squeeze3A_169, %squeeze3A : f32
    %eq3A_173 = arith.cmpf oeq, %squeeze3A_169, %squeeze3A : f32
    %lt3A_174 = arith.cmpi slt, %squeeze3A_171, %squeeze3A_167 : i32
    %and3A_175 = arith.andi %eq3A_173, %lt3A_174 : i1
    %or3A_176 = arith.ori %lt3A_172, %and3A_175 : i1
    %select_n3A_177 = arith.select %or3A_176, %squeeze3A_169, %squeeze3A : f32
    %select_n3A_178 = arith.select %or3A_176, %squeeze3A_171, %squeeze3A_167 : i32
    %slice3A_179 = vector.extract_strided_slice %select_n3A_164 {offsets = [2], sizes = [1], strides = [1]} : vector<16xf32> to vector<1xf32>
    %squeeze3A_180 = vector.extract %slice3A_179[0] : f32 from vector<1xf32>
    %slice3A_181 = vector.extract_strided_slice %select_n3A_165 {offsets = [2], sizes = [1], strides = [1]} : vector<16xi32> to vector<1xi32>
    %squeeze3A_182 = vector.extract %slice3A_181[0] : i32 from vector<1xi32>
    %lt3A_183 = arith.cmpf olt, %squeeze3A_180, %select_n3A_177 : f32
    %eq3A_184 = arith.cmpf oeq, %squeeze3A_180, %select_n3A_177 : f32
    %lt3A_185 = arith.cmpi slt, %squeeze3A_182, %select_n3A_178 : i32
    %and3A_186 = arith.andi %eq3A_184, %lt3A_185 : i1
    %or3A_187 = arith.ori %lt3A_183, %and3A_186 : i1
    %select_n3A_188 = arith.select %or3A_187, %squeeze3A_180, %select_n3A_177 : f32
    %select_n3A_189 = arith.select %or3A_187, %squeeze3A_182, %select_n3A_178 : i32
    %slice3A_190 = vector.extract_strided_slice %select_n3A_164 {offsets = [3], sizes = [1], strides = [1]} : vector<16xf32> to vector<1xf32>
    %squeeze3A_191 = vector.extract %slice3A_190[0] : f32 from vector<1xf32>
    %slice3A_192 = vector.extract_strided_slice %select_n3A_165 {offsets = [3], sizes = [1], strides = [1]} : vector<16xi32> to vector<1xi32>
    %squeeze3A_193 = vector.extract %slice3A_192[0] : i32 from vector<1xi32>
    %lt3A_194 = arith.cmpf olt, %squeeze3A_191, %select_n3A_188 : f32
    %eq3A_195 = arith.cmpf oeq, %squeeze3A_191, %select_n3A_188 : f32
    %lt3A_196 = arith.cmpi slt, %squeeze3A_193, %select_n3A_189 : i32
    %and3A_197 = arith.andi %eq3A_195, %lt3A_196 : i1
    %or3A_198 = arith.ori %lt3A_194, %and3A_197 : i1
    %select_n3A_199 = arith.select %or3A_198, %squeeze3A_191, %select_n3A_188 : f32
    %select_n3A_200 = arith.select %or3A_198, %squeeze3A_193, %select_n3A_189 : i32
    %slice3A_201 = vector.extract_strided_slice %select_n3A_164 {offsets = [4], sizes = [1], strides = [1]} : vector<16xf32> to vector<1xf32>
    %squeeze3A_202 = vector.extract %slice3A_201[0] : f32 from vector<1xf32>
    %slice3A_203 = vector.extract_strided_slice %select_n3A_165 {offsets = [4], sizes = [1], strides = [1]} : vector<16xi32> to vector<1xi32>
    %squeeze3A_204 = vector.extract %slice3A_203[0] : i32 from vector<1xi32>
    %lt3A_205 = arith.cmpf olt, %squeeze3A_202, %select_n3A_199 : f32
    %eq3A_206 = arith.cmpf oeq, %squeeze3A_202, %select_n3A_199 : f32
    %lt3A_207 = arith.cmpi slt, %squeeze3A_204, %select_n3A_200 : i32
    %and3A_208 = arith.andi %eq3A_206, %lt3A_207 : i1
    %or3A_209 = arith.ori %lt3A_205, %and3A_208 : i1
    %select_n3A_210 = arith.select %or3A_209, %squeeze3A_202, %select_n3A_199 : f32
    %select_n3A_211 = arith.select %or3A_209, %squeeze3A_204, %select_n3A_200 : i32
    %slice3A_212 = vector.extract_strided_slice %select_n3A_164 {offsets = [5], sizes = [1], strides = [1]} : vector<16xf32> to vector<1xf32>
    %squeeze3A_213 = vector.extract %slice3A_212[0] : f32 from vector<1xf32>
    %slice3A_214 = vector.extract_strided_slice %select_n3A_165 {offsets = [5], sizes = [1], strides = [1]} : vector<16xi32> to vector<1xi32>
    %squeeze3A_215 = vector.extract %slice3A_214[0] : i32 from vector<1xi32>
    %lt3A_216 = arith.cmpf olt, %squeeze3A_213, %select_n3A_210 : f32
    %eq3A_217 = arith.cmpf oeq, %squeeze3A_213, %select_n3A_210 : f32
    %lt3A_218 = arith.cmpi slt, %squeeze3A_215, %select_n3A_211 : i32
    %and3A_219 = arith.andi %eq3A_217, %lt3A_218 : i1
    %or3A_220 = arith.ori %lt3A_216, %and3A_219 : i1
    %select_n3A_221 = arith.select %or3A_220, %squeeze3A_213, %select_n3A_210 : f32
    %select_n3A_222 = arith.select %or3A_220, %squeeze3A_215, %select_n3A_211 : i32
    %slice3A_223 = vector.extract_strided_slice %select_n3A_164 {offsets = [6], sizes = [1], strides = [1]} : vector<16xf32> to vector<1xf32>
    %squeeze3A_224 = vector.extract %slice3A_223[0] : f32 from vector<1xf32>
    %slice3A_225 = vector.extract_strided_slice %select_n3A_165 {offsets = [6], sizes = [1], strides = [1]} : vector<16xi32> to vector<1xi32>
    %squeeze3A_226 = vector.extract %slice3A_225[0] : i32 from vector<1xi32>
    %lt3A_227 = arith.cmpf olt, %squeeze3A_224, %select_n3A_221 : f32
    %eq3A_228 = arith.cmpf oeq, %squeeze3A_224, %select_n3A_221 : f32
    %lt3A_229 = arith.cmpi slt, %squeeze3A_226, %select_n3A_222 : i32
    %and3A_230 = arith.andi %eq3A_228, %lt3A_229 : i1
    %or3A_231 = arith.ori %lt3A_227, %and3A_230 : i1
    %select_n3A_232 = arith.select %or3A_231, %squeeze3A_224, %select_n3A_221 : f32
    %select_n3A_233 = arith.select %or3A_231, %squeeze3A_226, %select_n3A_222 : i32
    %slice3A_234 = vector.extract_strided_slice %select_n3A_164 {offsets = [7], sizes = [1], strides = [1]} : vector<16xf32> to vector<1xf32>
    %squeeze3A_235 = vector.extract %slice3A_234[0] : f32 from vector<1xf32>
    %slice3A_236 = vector.extract_strided_slice %select_n3A_165 {offsets = [7], sizes = [1], strides = [1]} : vector<16xi32> to vector<1xi32>
    %squeeze3A_237 = vector.extract %slice3A_236[0] : i32 from vector<1xi32>
    %lt3A_238 = arith.cmpf olt, %squeeze3A_235, %select_n3A_232 : f32
    %eq3A_239 = arith.cmpf oeq, %squeeze3A_235, %select_n3A_232 : f32
    %lt3A_240 = arith.cmpi slt, %squeeze3A_237, %select_n3A_233 : i32
    %and3A_241 = arith.andi %eq3A_239, %lt3A_240 : i1
    %or3A_242 = arith.ori %lt3A_238, %and3A_241 : i1
    %select_n3A_243 = arith.select %or3A_242, %squeeze3A_235, %select_n3A_232 : f32
    %select_n3A_244 = arith.select %or3A_242, %squeeze3A_237, %select_n3A_233 : i32
    %slice3A_245 = vector.extract_strided_slice %select_n3A_164 {offsets = [8], sizes = [1], strides = [1]} : vector<16xf32> to vector<1xf32>
    %squeeze3A_246 = vector.extract %slice3A_245[0] : f32 from vector<1xf32>
    %slice3A_247 = vector.extract_strided_slice %select_n3A_165 {offsets = [8], sizes = [1], strides = [1]} : vector<16xi32> to vector<1xi32>
    %squeeze3A_248 = vector.extract %slice3A_247[0] : i32 from vector<1xi32>
    %lt3A_249 = arith.cmpf olt, %squeeze3A_246, %select_n3A_243 : f32
    %eq3A_250 = arith.cmpf oeq, %squeeze3A_246, %select_n3A_243 : f32
    %lt3A_251 = arith.cmpi slt, %squeeze3A_248, %select_n3A_244 : i32
    %and3A_252 = arith.andi %eq3A_250, %lt3A_251 : i1
    %or3A_253 = arith.ori %lt3A_249, %and3A_252 : i1
    %select_n3A_254 = arith.select %or3A_253, %squeeze3A_246, %select_n3A_243 : f32
    %select_n3A_255 = arith.select %or3A_253, %squeeze3A_248, %select_n3A_244 : i32
    %slice3A_256 = vector.extract_strided_slice %select_n3A_164 {offsets = [9], sizes = [1], strides = [1]} : vector<16xf32> to vector<1xf32>
    %squeeze3A_257 = vector.extract %slice3A_256[0] : f32 from vector<1xf32>
    %slice3A_258 = vector.extract_strided_slice %select_n3A_165 {offsets = [9], sizes = [1], strides = [1]} : vector<16xi32> to vector<1xi32>
    %squeeze3A_259 = vector.extract %slice3A_258[0] : i32 from vector<1xi32>
    %lt3A_260 = arith.cmpf olt, %squeeze3A_257, %select_n3A_254 : f32
    %eq3A_261 = arith.cmpf oeq, %squeeze3A_257, %select_n3A_254 : f32
    %lt3A_262 = arith.cmpi slt, %squeeze3A_259, %select_n3A_255 : i32
    %and3A_263 = arith.andi %eq3A_261, %lt3A_262 : i1
    %or3A_264 = arith.ori %lt3A_260, %and3A_263 : i1
    %select_n3A_265 = arith.select %or3A_264, %squeeze3A_257, %select_n3A_254 : f32
    %select_n3A_266 = arith.select %or3A_264, %squeeze3A_259, %select_n3A_255 : i32
    %slice3A_267 = vector.extract_strided_slice %select_n3A_164 {offsets = [10], sizes = [1], strides = [1]} : vector<16xf32> to vector<1xf32>
    %squeeze3A_268 = vector.extract %slice3A_267[0] : f32 from vector<1xf32>
    %slice3A_269 = vector.extract_strided_slice %select_n3A_165 {offsets = [10], sizes = [1], strides = [1]} : vector<16xi32> to vector<1xi32>
    %squeeze3A_270 = vector.extract %slice3A_269[0] : i32 from vector<1xi32>
    %lt3A_271 = arith.cmpf olt, %squeeze3A_268, %select_n3A_265 : f32
    %eq3A_272 = arith.cmpf oeq, %squeeze3A_268, %select_n3A_265 : f32
    %lt3A_273 = arith.cmpi slt, %squeeze3A_270, %select_n3A_266 : i32
    %and3A_274 = arith.andi %eq3A_272, %lt3A_273 : i1
    %or3A_275 = arith.ori %lt3A_271, %and3A_274 : i1
    %select_n3A_276 = arith.select %or3A_275, %squeeze3A_268, %select_n3A_265 : f32
    %select_n3A_277 = arith.select %or3A_275, %squeeze3A_270, %select_n3A_266 : i32
    %slice3A_278 = vector.extract_strided_slice %select_n3A_164 {offsets = [11], sizes = [1], strides = [1]} : vector<16xf32> to vector<1xf32>
    %squeeze3A_279 = vector.extract %slice3A_278[0] : f32 from vector<1xf32>
    %slice3A_280 = vector.extract_strided_slice %select_n3A_165 {offsets = [11], sizes = [1], strides = [1]} : vector<16xi32> to vector<1xi32>
    %squeeze3A_281 = vector.extract %slice3A_280[0] : i32 from vector<1xi32>
    %lt3A_282 = arith.cmpf olt, %squeeze3A_279, %select_n3A_276 : f32
    %eq3A_283 = arith.cmpf oeq, %squeeze3A_279, %select_n3A_276 : f32
    %lt3A_284 = arith.cmpi slt, %squeeze3A_281, %select_n3A_277 : i32
    %and3A_285 = arith.andi %eq3A_283, %lt3A_284 : i1
    %or3A_286 = arith.ori %lt3A_282, %and3A_285 : i1
    %select_n3A_287 = arith.select %or3A_286, %squeeze3A_279, %select_n3A_276 : f32
    %select_n3A_288 = arith.select %or3A_286, %squeeze3A_281, %select_n3A_277 : i32
    %slice3A_289 = vector.extract_strided_slice %select_n3A_164 {offsets = [12], sizes = [1], strides = [1]} : vector<16xf32> to vector<1xf32>
    %squeeze3A_290 = vector.extract %slice3A_289[0] : f32 from vector<1xf32>
    %slice3A_291 = vector.extract_strided_slice %select_n3A_165 {offsets = [12], sizes = [1], strides = [1]} : vector<16xi32> to vector<1xi32>
    %squeeze3A_292 = vector.extract %slice3A_291[0] : i32 from vector<1xi32>
    %lt3A_293 = arith.cmpf olt, %squeeze3A_290, %select_n3A_287 : f32
    %eq3A_294 = arith.cmpf oeq, %squeeze3A_290, %select_n3A_287 : f32
    %lt3A_295 = arith.cmpi slt, %squeeze3A_292, %select_n3A_288 : i32
    %and3A_296 = arith.andi %eq3A_294, %lt3A_295 : i1
    %or3A_297 = arith.ori %lt3A_293, %and3A_296 : i1
    %select_n3A_298 = arith.select %or3A_297, %squeeze3A_290, %select_n3A_287 : f32
    %select_n3A_299 = arith.select %or3A_297, %squeeze3A_292, %select_n3A_288 : i32
    %slice3A_300 = vector.extract_strided_slice %select_n3A_164 {offsets = [13], sizes = [1], strides = [1]} : vector<16xf32> to vector<1xf32>
    %squeeze3A_301 = vector.extract %slice3A_300[0] : f32 from vector<1xf32>
    %slice3A_302 = vector.extract_strided_slice %select_n3A_165 {offsets = [13], sizes = [1], strides = [1]} : vector<16xi32> to vector<1xi32>
    %squeeze3A_303 = vector.extract %slice3A_302[0] : i32 from vector<1xi32>
    %lt3A_304 = arith.cmpf olt, %squeeze3A_301, %select_n3A_298 : f32
    %eq3A_305 = arith.cmpf oeq, %squeeze3A_301, %select_n3A_298 : f32
    %lt3A_306 = arith.cmpi slt, %squeeze3A_303, %select_n3A_299 : i32
    %and3A_307 = arith.andi %eq3A_305, %lt3A_306 : i1
    %or3A_308 = arith.ori %lt3A_304, %and3A_307 : i1
    %select_n3A_309 = arith.select %or3A_308, %squeeze3A_301, %select_n3A_298 : f32
    %select_n3A_310 = arith.select %or3A_308, %squeeze3A_303, %select_n3A_299 : i32
    %slice3A_311 = vector.extract_strided_slice %select_n3A_164 {offsets = [14], sizes = [1], strides = [1]} : vector<16xf32> to vector<1xf32>
    %squeeze3A_312 = vector.extract %slice3A_311[0] : f32 from vector<1xf32>
    %slice3A_313 = vector.extract_strided_slice %select_n3A_165 {offsets = [14], sizes = [1], strides = [1]} : vector<16xi32> to vector<1xi32>
    %squeeze3A_314 = vector.extract %slice3A_313[0] : i32 from vector<1xi32>
    %lt3A_315 = arith.cmpf olt, %squeeze3A_312, %select_n3A_309 : f32
    %eq3A_316 = arith.cmpf oeq, %squeeze3A_312, %select_n3A_309 : f32
    %lt3A_317 = arith.cmpi slt, %squeeze3A_314, %select_n3A_310 : i32
    %and3A_318 = arith.andi %eq3A_316, %lt3A_317 : i1
    %or3A_319 = arith.ori %lt3A_315, %and3A_318 : i1
    %select_n3A_320 = arith.select %or3A_319, %squeeze3A_312, %select_n3A_309 : f32
    %select_n3A_321 = arith.select %or3A_319, %squeeze3A_314, %select_n3A_310 : i32
    %slice3A_322 = vector.extract_strided_slice %select_n3A_164 {offsets = [15], sizes = [1], strides = [1]} : vector<16xf32> to vector<1xf32>
    %squeeze3A_323 = vector.extract %slice3A_322[0] : f32 from vector<1xf32>
    %slice3A_324 = vector.extract_strided_slice %select_n3A_165 {offsets = [15], sizes = [1], strides = [1]} : vector<16xi32> to vector<1xi32>
    %squeeze3A_325 = vector.extract %slice3A_324[0] : i32 from vector<1xi32>
    %lt3A_326 = arith.cmpf olt, %squeeze3A_323, %select_n3A_320 : f32
    %eq3A_327 = arith.cmpf oeq, %squeeze3A_323, %select_n3A_320 : f32
    %lt3A_328 = arith.cmpi slt, %squeeze3A_325, %select_n3A_321 : i32
    %and3A_329 = arith.andi %eq3A_327, %lt3A_328 : i1
    %or3A_330 = arith.ori %lt3A_326, %and3A_329 : i1
    %select_n3A_331 = arith.select %or3A_330, %squeeze3A_323, %select_n3A_320 : f32
    %select_n3A_332 = arith.select %or3A_330, %squeeze3A_325, %select_n3A_321 : i32
    %eq3A_333 = arith.constant 0 : i32
    %eq3A_334 = vector.broadcast %eq3A_333 : i32 to vector<16xi32>
    %eq3A_335 = arith.cmpi eq, %iota3A, %eq3A_334 : vector<16xi32>
    %broadcast_in_dim3A_336 = vector.broadcast %select_n3A_332 : i32 to vector<16xi32>
    %select_n3A_337 = arith.select %eq3A_335, %broadcast_in_dim3A_336, %broadcast_in_dim3A_3 : vector<16xi1>, vector<16xi32>
    %swap3A = arith.constant 0 : index
    %swap3A_338 = tpu.vector_load %arg5[%swap3A] {strides = array<i32>} : memref<16xi32, #tpu.memory_space<vmem>>, vector<16xi32>,
    %swap3A_339 = vector.shape_cast %swap3A_338 : vector<16xi32> to vector<16xi32>
    %swap3A_340 = vector.shape_cast %select_n3A_337 : vector<16xi32> to vector<16xi32>
    tpu.vector_store %arg5[%swap3A], %swap3A_340 {strides = array<i32>} : memref<16xi32, #tpu.memory_space<vmem>>, vector<16xi32>,
    %mul3A_341 = arith.constant 8 : i32
    %mul3A_342 = arith.muli %add3A, %mul3A_341 : i32
    "tpu.region"() ({
      %run_scoped3A = tpu.sem_alloc : memref<!tpu.dma_semaphore, #tpu.memory_space<semaphore_mem>>
      %dma_start3A_343 = arith.constant 0 : i32
      %dma_start3A_344 = tpu.memref_slice %arg5[%dma_start3A_343] : memref<16xi32, #tpu.memory_space<vmem>> -> memref<8xi32, #tpu.memory_space<vmem>>
      %dma_start3A_345 = tpu.memref_slice %arg3[%mul3A_342] : memref<256xi32, #tpu.memory_space<hbm>> -> memref<8xi32, #tpu.memory_space<hbm>>
      %dma_start3A_346 = tpu.memref_slice %arg3[%mul3A_342] : memref<256xi32, #tpu.memory_space<hbm>> -> memref<8xi32, #tpu.memory_space<hbm>>
      %dma_start3A_347 = arith.constant 0 : i32
      %dma_start3A_348 = tpu.memref_slice %arg5[%dma_start3A_347] : memref<16xi32, #tpu.memory_space<vmem>> -> memref<8xi32, #tpu.memory_space<vmem>>
      tpu.enqueue_dma source(%dma_start3A_348 : memref<8xi32, #tpu.memory_space<vmem>>) target(%dma_start3A_346 : memref<8xi32, #tpu.memory_space<hbm>>) target_semaphore(%run_scoped3A : memref<!tpu.dma_semaphore, #tpu.memory_space<semaphore_mem>>)
      %dma_wait3A_349 = arith.constant 0 : i32
      %dma_wait3A_350 = tpu.memref_slice %arg5[%dma_wait3A_349] : memref<16xi32, #tpu.memory_space<vmem>> -> memref<8xi32, #tpu.memory_space<vmem>>
      %dma_wait3A_351 = tpu.memref_slice %arg3[%mul3A_342] : memref<256xi32, #tpu.memory_space<hbm>> -> memref<8xi32, #tpu.memory_space<hbm>>
      %dma_wait3A_352 = tpu.memref_slice %arg3[%mul3A_342] : memref<256xi32, #tpu.memory_space<hbm>> -> memref<8xi32, #tpu.memory_space<hbm>>
      %dma_wait3A_353 = arith.constant 0 : i32
      %dma_wait3A_354 = tpu.memref_slice %arg5[%dma_wait3A_353] : memref<16xi32, #tpu.memory_space<vmem>> -> memref<8xi32, #tpu.memory_space<vmem>>
      tpu.wait_dma2 semaphore(%run_scoped3A : memref<!tpu.dma_semaphore, #tpu.memory_space<semaphore_mem>>) src(%dma_wait3A_354 : memref<8xi32, #tpu.memory_space<vmem>>) dst(%dma_wait3A_352 : memref<8xi32, #tpu.memory_space<hbm>>)
      tpu.yield
    }) : () -> ()
    return
  }
}

module attributes {stable_mosaic.version = 14 : i64} {
  func.func @_tc_body(%arg0: i32, %arg1: memref<32x16384xf32, #tpu.memory_space<vmem>>, %arg2: memref<32x16384xf32, #tpu.memory_space<vmem>>, %arg3: memref<1x1x32xi32, #tpu.memory_space<vmem>>) attributes {dimension_semantics = [#tpu.dimension_semantics<arbitrary>], iteration_bounds = array<i64: 3>, scalar_prefetch = 0 : i64, scratch_operands = 0 : i64, tpu.core_type = #tpu.core_type<tc>, window_params = [{transform_indices = @transform_0, window_bounds = array<i64: 32, 16384>}, {transform_indices = @transform_1, window_bounds = array<i64: 32, 16384>}, {transform_indices = @transform_2, window_bounds = array<i64: 1, 1, 32>}]} {
    %iota3A = tpu.iota {dimensions = array<i32: 1>} : vector<32x512xi32>
    %broadcast_in_dim3A = arith.constant 0x7F800000 : f32
    %broadcast_in_dim3A_0 = vector.broadcast %broadcast_in_dim3A : f32 to vector<32x512xf32>
    %broadcast_in_dim3A_1 = arith.constant 0 : i32
    %broadcast_in_dim3A_2 = vector.broadcast %broadcast_in_dim3A_1 : i32 to vector<32x512xi32>
    %scan3A = arith.constant 0 : i32
    %scan3A_3 = arith.constant 32 : i32
    %scan3A_4 = arith.addi %scan3A, %scan3A_3 : i32
    %scan3A_5 = arith.constant 4 : i32
    %scan3A_6:2 = scf.for %scan3A_25 = %scan3A to %scan3A_4 step %scan3A_5 iter_args(%scan3A_26 = %broadcast_in_dim3A_0, %scan3A_27 = %broadcast_in_dim3A_2) -> (vector<32x512xf32>, vector<32x512xi32>)  : i32 {
      %mul3A_28 = arith.constant 512 : i32
      %mul3A_29 = arith.muli %scan3A_25, %mul3A_28 : i32
      %get3A = arith.constant 0 : index
      %get3A_30 = arith.index_cast %mul3A_29 : i32 to index
      %get3A_31 = vector.load %arg1[%get3A, %get3A_30] : memref<32x16384xf32, #tpu.memory_space<vmem>>, vector<32x512xf32>
      %lt3A = arith.cmpf olt, %get3A_31, %scan3A_26 : vector<32x512xf32>
      %min3A = arith.minimumf %get3A_31, %scan3A_26 : vector<32x512xf32>
      %add3A_32 = arith.constant 0 : i32
      %add3A_33 = arith.addi %scan3A_25, %add3A_32 : i32
      %broadcast_in_dim3A_34 = vector.broadcast %add3A_33 : i32 to vector<32x512xi32>
      %select_n3A_35 = arith.select %lt3A, %broadcast_in_dim3A_34, %scan3A_27 : vector<32x512xi1>, vector<32x512xi32>
      %scan3A_36 = arith.constant 1 : i32
      %scan3A_37 = arith.addi %scan3A_25, %scan3A_36 : i32
      %mul3A_38 = arith.constant 512 : i32
      %mul3A_39 = arith.muli %scan3A_37, %mul3A_38 : i32
      %get3A_40 = arith.constant 0 : index
      %get3A_41 = arith.index_cast %mul3A_39 : i32 to index
      %get3A_42 = vector.load %arg1[%get3A_40, %get3A_41] : memref<32x16384xf32, #tpu.memory_space<vmem>>, vector<32x512xf32>
      %lt3A_43 = arith.cmpf olt, %get3A_42, %min3A : vector<32x512xf32>
      %min3A_44 = arith.minimumf %get3A_42, %min3A : vector<32x512xf32>
      %add3A_45 = arith.constant 0 : i32
      %add3A_46 = arith.addi %scan3A_37, %add3A_45 : i32
      %broadcast_in_dim3A_47 = vector.broadcast %add3A_46 : i32 to vector<32x512xi32>
      %select_n3A_48 = arith.select %lt3A_43, %broadcast_in_dim3A_47, %select_n3A_35 : vector<32x512xi1>, vector<32x512xi32>
      %scan3A_49 = arith.constant 2 : i32
      %scan3A_50 = arith.addi %scan3A_25, %scan3A_49 : i32
      %mul3A_51 = arith.constant 512 : i32
      %mul3A_52 = arith.muli %scan3A_50, %mul3A_51 : i32
      %get3A_53 = arith.constant 0 : index
      %get3A_54 = arith.index_cast %mul3A_52 : i32 to index
      %get3A_55 = vector.load %arg1[%get3A_53, %get3A_54] : memref<32x16384xf32, #tpu.memory_space<vmem>>, vector<32x512xf32>
      %lt3A_56 = arith.cmpf olt, %get3A_55, %min3A_44 : vector<32x512xf32>
      %min3A_57 = arith.minimumf %get3A_55, %min3A_44 : vector<32x512xf32>
      %add3A_58 = arith.constant 0 : i32
      %add3A_59 = arith.addi %scan3A_50, %add3A_58 : i32
      %broadcast_in_dim3A_60 = vector.broadcast %add3A_59 : i32 to vector<32x512xi32>
      %select_n3A_61 = arith.select %lt3A_56, %broadcast_in_dim3A_60, %select_n3A_48 : vector<32x512xi1>, vector<32x512xi32>
      %scan3A_62 = arith.constant 3 : i32
      %scan3A_63 = arith.addi %scan3A_25, %scan3A_62 : i32
      %mul3A_64 = arith.constant 512 : i32
      %mul3A_65 = arith.muli %scan3A_63, %mul3A_64 : i32
      %get3A_66 = arith.constant 0 : index
      %get3A_67 = arith.index_cast %mul3A_65 : i32 to index
      %get3A_68 = vector.load %arg1[%get3A_66, %get3A_67] : memref<32x16384xf32, #tpu.memory_space<vmem>>, vector<32x512xf32>
      %lt3A_69 = arith.cmpf olt, %get3A_68, %min3A_57 : vector<32x512xf32>
      %min3A_70 = arith.minimumf %get3A_68, %min3A_57 : vector<32x512xf32>
      %add3A_71 = arith.constant 0 : i32
      %add3A_72 = arith.addi %scan3A_63, %add3A_71 : i32
      %broadcast_in_dim3A_73 = vector.broadcast %add3A_72 : i32 to vector<32x512xi32>
      %select_n3A_74 = arith.select %lt3A_69, %broadcast_in_dim3A_73, %select_n3A_61 : vector<32x512xi1>, vector<32x512xi32>
      scf.yield %min3A_70, %select_n3A_74 : vector<32x512xf32>, vector<32x512xi32>
    }
    %scan3A_7 = arith.constant 32 : i32
    %scan3A_8 = arith.constant 0 : i32
    %scan3A_9 = arith.constant 32 : i32
    %scan3A_10 = arith.addi %scan3A_8, %scan3A_9 : i32
    %scan3A_11 = arith.constant 4 : i32
    %scan3A_12:2 = scf.for %scan3A_25 = %scan3A_8 to %scan3A_10 step %scan3A_11 iter_args(%scan3A_26 = %scan3A_6#0, %scan3A_27 = %scan3A_6#1) -> (vector<32x512xf32>, vector<32x512xi32>)  : i32 {
      %mul3A_28 = arith.constant 512 : i32
      %mul3A_29 = arith.muli %scan3A_25, %mul3A_28 : i32
      %get3A = arith.constant 0 : index
      %get3A_30 = arith.index_cast %mul3A_29 : i32 to index
      %get3A_31 = vector.load %arg2[%get3A, %get3A_30] : memref<32x16384xf32, #tpu.memory_space<vmem>>, vector<32x512xf32>
      %lt3A = arith.cmpf olt, %get3A_31, %scan3A_26 : vector<32x512xf32>
      %min3A = arith.minimumf %get3A_31, %scan3A_26 : vector<32x512xf32>
      %add3A_32 = arith.constant 32 : i32
      %add3A_33 = arith.addi %scan3A_25, %add3A_32 : i32
      %broadcast_in_dim3A_34 = vector.broadcast %add3A_33 : i32 to vector<32x512xi32>
      %select_n3A_35 = arith.select %lt3A, %broadcast_in_dim3A_34, %scan3A_27 : vector<32x512xi1>, vector<32x512xi32>
      %scan3A_36 = arith.constant 1 : i32
      %scan3A_37 = arith.addi %scan3A_25, %scan3A_36 : i32
      %mul3A_38 = arith.constant 512 : i32
      %mul3A_39 = arith.muli %scan3A_37, %mul3A_38 : i32
      %get3A_40 = arith.constant 0 : index
      %get3A_41 = arith.index_cast %mul3A_39 : i32 to index
      %get3A_42 = vector.load %arg2[%get3A_40, %get3A_41] : memref<32x16384xf32, #tpu.memory_space<vmem>>, vector<32x512xf32>
      %lt3A_43 = arith.cmpf olt, %get3A_42, %min3A : vector<32x512xf32>
      %min3A_44 = arith.minimumf %get3A_42, %min3A : vector<32x512xf32>
      %add3A_45 = arith.constant 32 : i32
      %add3A_46 = arith.addi %scan3A_37, %add3A_45 : i32
      %broadcast_in_dim3A_47 = vector.broadcast %add3A_46 : i32 to vector<32x512xi32>
      %select_n3A_48 = arith.select %lt3A_43, %broadcast_in_dim3A_47, %select_n3A_35 : vector<32x512xi1>, vector<32x512xi32>
      %scan3A_49 = arith.constant 2 : i32
      %scan3A_50 = arith.addi %scan3A_25, %scan3A_49 : i32
      %mul3A_51 = arith.constant 512 : i32
      %mul3A_52 = arith.muli %scan3A_50, %mul3A_51 : i32
      %get3A_53 = arith.constant 0 : index
      %get3A_54 = arith.index_cast %mul3A_52 : i32 to index
      %get3A_55 = vector.load %arg2[%get3A_53, %get3A_54] : memref<32x16384xf32, #tpu.memory_space<vmem>>, vector<32x512xf32>
      %lt3A_56 = arith.cmpf olt, %get3A_55, %min3A_44 : vector<32x512xf32>
      %min3A_57 = arith.minimumf %get3A_55, %min3A_44 : vector<32x512xf32>
      %add3A_58 = arith.constant 32 : i32
      %add3A_59 = arith.addi %scan3A_50, %add3A_58 : i32
      %broadcast_in_dim3A_60 = vector.broadcast %add3A_59 : i32 to vector<32x512xi32>
      %select_n3A_61 = arith.select %lt3A_56, %broadcast_in_dim3A_60, %select_n3A_48 : vector<32x512xi1>, vector<32x512xi32>
      %scan3A_62 = arith.constant 3 : i32
      %scan3A_63 = arith.addi %scan3A_25, %scan3A_62 : i32
      %mul3A_64 = arith.constant 512 : i32
      %mul3A_65 = arith.muli %scan3A_63, %mul3A_64 : i32
      %get3A_66 = arith.constant 0 : index
      %get3A_67 = arith.index_cast %mul3A_65 : i32 to index
      %get3A_68 = vector.load %arg2[%get3A_66, %get3A_67] : memref<32x16384xf32, #tpu.memory_space<vmem>>, vector<32x512xf32>
      %lt3A_69 = arith.cmpf olt, %get3A_68, %min3A_57 : vector<32x512xf32>
      %min3A_70 = arith.minimumf %get3A_68, %min3A_57 : vector<32x512xf32>
      %add3A_71 = arith.constant 32 : i32
      %add3A_72 = arith.addi %scan3A_63, %add3A_71 : i32
      %broadcast_in_dim3A_73 = vector.broadcast %add3A_72 : i32 to vector<32x512xi32>
      %select_n3A_74 = arith.select %lt3A_69, %broadcast_in_dim3A_73, %select_n3A_61 : vector<32x512xi1>, vector<32x512xi32>
      scf.yield %min3A_70, %select_n3A_74 : vector<32x512xf32>, vector<32x512xi32>
    }
    %scan3A_13 = arith.constant 32 : i32
    %mul3A = arith.constant 512 : i32
    %mul3A_14 = vector.broadcast %mul3A : i32 to vector<32x512xi32>
    %mul3A_15 = arith.muli %scan3A_12#1, %mul3A_14 : vector<32x512xi32>
    %add3A = arith.addi %mul3A_15, %iota3A : vector<32x512xi32>
    %reduce_min3A = arith.constant dense<0x7F800000> : vector<32xf32>
    %reduce_min3A_16 = vector.multi_reduction <minimumf>, %scan3A_12#0, %reduce_min3A [1] : vector<32x512xf32> to vector<32xf32>
    %broadcast_in_dim3A_17 = vector.shape_cast %reduce_min3A_16 : vector<32xf32> to vector<32x1xf32>
    %eq3A = vector.broadcast %broadcast_in_dim3A_17 : vector<32x1xf32> to vector<32x512xf32>
    %eq3A_18 = arith.cmpf oeq, %scan3A_12#0, %eq3A : vector<32x512xf32>
    %jit3A = arith.constant 2147483647 : i32
    %broadcast_in_dim3A_19 = vector.broadcast %jit3A : i32 to vector<32x512xi32>
    %select_n3A = arith.select %eq3A_18, %add3A, %broadcast_in_dim3A_19 : vector<32x512xi1>, vector<32x512xi32>
    %reduce_min3A_20 = arith.constant dense<2147483647> : vector<32xi32>
    %reduce_min3A_21 = vector.multi_reduction <minsi>, %select_n3A, %reduce_min3A_20 [1] : vector<32x512xi32> to vector<32xi32>
    %reshape3A = vector.shape_cast %reduce_min3A_21 : vector<32xi32> to vector<1x1x32xi32>
    %swap3A = arith.constant 0 : index
    %swap3A_22 = arith.constant 0 : index
    %swap3A_23 = arith.constant 0 : index
    %swap3A_24 = vector.load %arg3[%swap3A, %swap3A_22, %swap3A_23] : memref<1x1x32xi32, #tpu.memory_space<vmem>>, vector<1x1x32xi32>
    tpu.vector_store %arg3[%swap3A, %swap3A_22, %swap3A_23], %reshape3A {strides = array<i32>} : memref<1x1x32xi32, #tpu.memory_space<vmem>>, vector<1x1x32xi32>,
    return
  }
  func.func @transform_0(%arg0: i32) -> (i32, i32) {
    %add3A = arith.constant 1 : i32
    %add3A_0 = arith.addi %arg0, %add3A : i32
    %c0_i32 = arith.constant 0 : i32
    %c0_i32_1 = arith.constant 0 : i32
    return %add3A_0, %c0_i32 : i32, i32
  }
  func.func @transform_1(%arg0: i32) -> (i32, i32) {
    %add3A = arith.constant 1 : i32
    %add3A_0 = arith.addi %arg0, %add3A : i32
    %c1_i32 = arith.constant 1 : i32
    %c0_i32 = arith.constant 0 : i32
    return %add3A_0, %c1_i32 : i32, i32
  }
  func.func @transform_2(%arg0: i32) -> (i32, i32, i32) {
    %c0_i32 = arith.constant 0 : i32
    %c0_i32_0 = arith.constant 0 : i32
    %c0_i32_1 = arith.constant 0 : i32
    return %arg0, %c0_i32, %c0_i32_0 : i32, i32, i32
  }
}

</mosaic_0001>

<sc_bundles>
// kernel: kernel.4.cloned.1.call-start
scs
__scs_entry_jumppad:
0x0: {  	(pc) =	sbr.rel $0x88, $3  }
0x1: {  	(tag) =	ssettag $0x0;
	lr =	simm.s32 $0x1  }
0x2: {  	[smem:$0x3FA0] =	sst lr;
	_ =	strace $0xD0000000  }
0x3: {  	_ = 	snop  }
0x4: {  	_ = 	snop  }
0x5: {  	_ = 	snop  }
0x6: {  	_ = 	snop  }
0x7: {  	_ = 	snop  }
__scs_overlays_trampoline_lowered:
0x8: {  	[smem:$0x3FAF] =	sst s0  }
0x9: {  	[smem:$0x3FB0] =	sst s1  }
0xa: {  	[smem:$0x3FB1] =	sst s2  }
0xb: {  	[smem:$0x3FB2] =	sst s3  }
0xc: {  	[smem:$0x3FB3] =	sst s4  }
0xd: {  	[smem:$0x3FB4] =	sst s5  }
0xe: {  	[smem:$0x3FB5] =	sst s6  }
0xf: {  	[smem:$0x3FB6] =	sst s7  }
0x10: {  	[smem:$0x3FB7] =	sst s8  }
0x11: {  	[smem:$0x3FB8] =	sst s9;
	s0 =	simm.s32 @!p0 $0x0  }
0x12: {  	s1 =	sld [smem:$0x3F9E];
	s0 =	simm.s32 @p0 $0x1  }
0x13: {  	[smem:$0x3FB9] =	sst s0;
	s0 =	simm.s32 @!p1 $0x0  }
0x14: {  	s2 =	sld [smem:$0x3F9D];
	s0 =	simm.s32 @p1 $0x1  }
0x15: {  	[smem:$0x3FBA] =	sst s0;
	s0 =	simm.s32 @!p2 $0x0  }
0x16: {  	s3 =	sld [smem:$0x3FDB];
	s0 =	simm.s32 @p2 $0x1  }
0x17: {  	s4 =	simm.s32 $0x1BF5;
	[smem:$0x3FBC] =	sst s0  }
0x18: {  	s0 =	sld [smem:$0x3F9F];
	_ =	swait.ge [sflag:s4], $0x0  }
0x19: {  	s7 =	sld [smem:$0x3FA0]  }
0x1a: {  	s8 =	sadd.s32 $0xFFFFE003, lr  }
0x1b: {  	s9 =	sadd.s32 $0xFFFFFEF7, lr;
	s5 =	simm.s32 $0xFFFFFFFF;
	p2 =	slt.u32 s8, $0xFFFFF086  }
0x1c: {  	p1 =	slt.u32 s9, $0xF7A;
	s5 =	simm.s32 @!p2 $0x0  }
0x1d: {  	s5 =	simm.s32 @p1 $0x1;
	p0 =	seq.s32 s7, s2  }
0x1e: {  	s7 =	smul.u32 @!p0 $0xF7A, s2;
	p2 =	seq.s32 @!p0 s5, $0x0  }
0x1f: {  	s9 =	smul.u32 $0xF7A, s1;
	s8 =	simm.s32 @!p0 $0x1BF5;
	p2 =	por !p2, p0  }
0x20: {  	[sflag:s8] =	ssyncset.s32 @!p0 $0xFFFFF086;
	s6 =	sadd.s32 @!p0 s3, s7;
	s7 =	simm.s32 @!p0 $0x108  }
0x21: {  	s3 =	sadd.s32 s3, s9;
	s6 =	sadd.s32 @!p0 $0x88, s6;
	s7 =	simm.s32 @p2 $0x1082  }
0x22: {  	[simem:s7], [sflag:s8] =	dma.local @!p0 [hbm:s6], $0xF7A  }
0x23: {  	s9 =	sor.u32 $0xD0000000, s2;
	s6 =	simm.s32 $0x108;
	_ =	swait.ge @!p0 [sflag:s8], $0x0  }
0x24: {  	s3 =	sadd.s32 $0x88, s3;
	s6 =	simm.s32 @!p1 $0x1082;
	[sflag:s4] =	ssyncset.s32 $0xFFFFF086  }
0x25: {  	[simem:s6], [sflag:s4] =	dma.local [hbm:s3], $0xF7A  }
0x26: {  	[smem:$0x3FA0] =	sst s1;
	(tag) =	ssettag s2;
	_ =	strace s9  }
0x27: {  	s1 =	sld [smem:$0x3FB0]  }
0x28: {  	s2 =	sld [smem:$0x3FB1]  }
0x29: {  	s4 =	sld [smem:$0x3FB3]  }
0x2a: {  	p0 =	seq.s32 s5, $0x0;
	s5 =	sld [smem:$0x3FB4]  }
0x2b: {  	s6 =	sld [smem:$0x3FB5]  }
0x2c: {  	s7 =	sld [smem:$0x3FB6]  }
0x2d: {  	s3 =	simm.s32 $0x108;
	s8 =	sld [smem:$0x3FB7]  }
0x2e: {  	s3 =	simm.s32 @!p0 $0x1082;
	s9 =	sld [smem:$0x3FB8]  }
0x2f: {  	lr =	sadd.s32 s0, s3;
	s0 =	sld [smem:$0x3FAF]  }
0x30: {  	s3 =	sld [smem:$0x3FB2]  }
0x31: {  	[smem:$0x3FBB] =	sst s10  }
0x32: {  	s10 =	sld [smem:$0x3FB9];
	_ =	sdelay $0x3  }
0x33: {  	p0 =	seq.s32 s10, $0x1;
	s10 =	sld [smem:$0x3FBB];
	_ =	sdelay $0x3  }
0x34: {  	[smem:$0x3FBB] =	sst s10  }
0x35: {  	s10 =	sld [smem:$0x3FBA];
	_ =	sdelay $0x3  }
0x36: {  	p1 =	seq.s32 s10, $0x1;
	s10 =	sld [smem:$0x3FBB];
	_ =	sdelay $0x3  }
0x37: {  	[smem:$0x3FBB] =	sst s10  }
0x38: {  	s10 =	sld [smem:$0x3FBC]  }
0x39: {  	_ = 	snop;
	(pc) =	sbr.ind lr, $3  }
0x3a: {  	_ = 	snop  }
0x3b: {  	_ = 	snop  }
0x3c: {  	p2 =	seq.s32 s10, $0x1;
	s10 =	sld [smem:$0x3FBB]  }
0x3d: {  	_ =	shalt  }
0x3e: {  	_ =	shalt  }
0x3f: {  	_ =	shalt  }
0x40: {  	_ =	shalt  }
0x41: {  	_ =	shalt  }
0x42: {  	_ =	shalt  }
0x43: {  	_ =	shalt  }
0x44: {  	_ =	shalt  }
0x45: {  	_ =	shalt  }
0x46: {  	_ =	shalt  }
0x47: {  	_ =	shalt  }
0x48: {  	_ =	shalt  }
0x49: {  	_ =	shalt  }
0x4a: {  	_ =	shalt  }
0x4b: {  	_ =	shalt  }
0x4c: {  	_ =	shalt  }
0x4d: {  	_ =	shalt  }
0x4e: {  	_ =	shalt  }
0x4f: {  	_ =	shalt  }
0x50: {  	_ =	shalt  }
0x51: {  	_ =	shalt  }
0x52: {  	_ =	shalt  }
0x53: {  	_ =	shalt  }
0x54: {  	_ =	shalt  }
0x55: {  	_ =	shalt  }
0x56: {  	_ =	shalt  }
0x57: {  	_ =	shalt  }
0x58: {  	_ =	shalt  }
0x59: {  	_ =	shalt  }
0x5a: {  	_ =	shalt  }
0x5b: {  	_ =	shalt  }
0x5c: {  	_ =	shalt  }
0x5d: {  	_ =	shalt  }
0x5e: {  	_ =	shalt  }
0x5f: {  	_ =	shalt  }
0x60: {  	_ =	shalt  }
0x61: {  	_ =	shalt  }
0x62: {  	_ =	shalt  }
0x63: {  	_ =	shalt  }
0x64: {  	_ =	shalt  }
0x65: {  	_ =	shalt  }
0x66: {  	_ =	shalt  }
0x67: {  	_ =	shalt  }
0x68: {  	_ =	shalt  }
0x69: {  	_ =	shalt  }
0x6a: {  	_ =	shalt  }
0x6b: {  	_ =	shalt  }
0x6c: {  	_ =	shalt  }
0x6d: {  	_ =	shalt  }
0x6e: {  	_ =	shalt  }
0x6f: {  	_ =	shalt  }
0x70: {  	_ =	shalt  }
0x71: {  	_ =	shalt  }
0x72: {  	_ =	shalt  }
0x73: {  	_ =	shalt  }
0x74: {  	_ =	shalt  }
0x75: {  	_ =	shalt  }
0x76: {  	_ =	shalt  }
0x77: {  	_ =	shalt  }
0x78: {  	_ =	shalt  }
0x79: {  	_ =	shalt  }
0x7a: {  	_ =	shalt  }
0x7b: {  	_ =	shalt  }
0x7c: {  	_ =	shalt  }
0x7d: {  	_ =	shalt  }
0x7e: {  	_ =	shalt  }
0x7f: {  	_ =	shalt  }
0x80: {  	_ =	shalt  }
0x81: {  	_ =	shalt  }
0x82: {  	_ =	shalt  }
0x83: {  	_ =	shalt  }
0x84: {  	_ =	shalt  }
0x85: {  	_ =	shalt  }
0x86: {  	_ =	shalt  }
0x87: {  	_ =	shalt  }
.Lfunc_end0:
.L_simem_size_0:
called_computation_lowered:
.L_overlay_start_0:
0x88: {  	s2 =	sld [smem:$0x3FD9]  }
0x89: {  	s3 =	sld [smem:$0x3FFE];
	_ =	sdelay $0x1  }
0x8a: {  	s1 =	srdreg.scid  }
0x8b: {  	s0 =	sand.u32 $0x1, s1  }
0x8c: {  	s17 =	sshll.u32 s0, $0xA;
	s2 =	sadd.s32 s3, s2  }
0x8d: {  	s2 =	sadd.s32 s2, s17  }
0x8e: {  	[smem:$0x3FC7] =	sst s2  }
0x8f: {  	_ = 	snop  }
0x90: {  	s2 =	sld [smem:$0x3FC9];
	(tm) =	ssettm $0x1  }
0x91: {  	s18 =	sld [smem:$0x3FFB];
	_ =	sdelay $0x3  }
0x92: {  	_ =	strace s18  }
0x93: {  	s3 =	sld [smem:$0x3FFC];
	_ =	sdelay $0x3  }
0x94: {  	_ =	strace s3  }
0x95: {  	s3 =	sld [smem:$0x3FFD];
	_ =	sdelay $0x3  }
0x96: {  	_ =	strace s3  }
0x97: {  	_ =	strace $0x8FFFFFFF  }
0x98: {  	s19 =	sld [smem:$0x3FDB];
	_ =	sdelay $0x1  }
0x99: {  	s4 =	simm.s32 $_scs_section_size  }
0x9a: {  	s5 =	simm.s32 $_size__tile_overlayer_lowered;
	s6 =	simm.s32 $_tile_overlayer_lowered  }
0x9b: {  	s22 =	simm.s32 $0x1BFF;
	s21 =	sshll.u32 s6, $0x1;
	s3 =	sadd.s32 s4, s19  }
0x9c: {  	s7 =	simm.s32 $0x0;
	s20 =	sshll.u32 s5, $0x1;
	s5 =	sadd.s32 s21, s3  }
0x9d: {  	[timem:s7], [sflag:s22] =	dma.local [hbm:s5], s20  }
0x9e: {  	_ =	swait.ge [sflag:s22], s20  }
0x9f: {  	s4 =	ssub.s32 $0x0, s20;
	[sflag:s22] =	ssyncset.done $0x0  }
0xa0: {  	[sflag:s22] =	ssyncadd.s32 s4;
	_ =	sdelay $0x1  }
0xa1: {  	s23 =	simm.s32 $0x1B8B  }
0xa2: {  	_ =	swait.ge [sflag:s23], $0x1  }
0xa3: {  	[sflag:s23] =	ssyncset.done $0x0  }
0xa4: {  	s25 =	simm.s32 $0x1B8E;
	s24 =	sld [smem:$0x3FFE];
	[sflag:s23] =	ssyncadd.s32 $0xFFFFFFFF  }
0xa5: {  	s26 =	simm.s32 $execute0_lowered;
	[smem:$0x3FD2] =	sst s25  }
0xa6: {  	s5 =	sshll.u32 s26, $0x1;
	_ =	strace $0x80000046;
	[dreg:$0x1] =	wrdreg $0xFFFFFFFF  }
0xa7: {  	s28 =	simm.s32 $_size_execute0_lowered;
	s3 =	sadd.s32 s3, s5;
	[dreg:$0x0] =	wrdreg $0x0  }
0xa8: {  	s5 =	sshll.u32 s28, $0x1;
	[dreg:$0x2] =	wrdreg s3  }
0xa9: {  	[dreg:$0x3] =	wrdreg s5  }
0xaa: {  	[dreg:$0x4] =	wrdreg $0xC0  }
0xab: {  	_ =	task [dreg:s7], $0x5FFFF  }
0xac: {  	[dreg:$0x1] =	wrdreg $0xFFFFFFFF  }
0xad: {  	[dreg:$0x0] =	wrdreg $0x60  }
0xae: {  	[dreg:$0x2] =	wrdreg s2  }
0xaf: {  	[dreg:$0x3] =	wrdreg s24  }
0xb0: {  	[dreg:$0x4] =	wrdreg $0x9  }
0xb1: {  	_ =	task.clear_ibuf [dreg:s7], $0x5FFFF;
	_ =	strace $0x90000046  }
0xb2: {  	s29 =	simm.s32 $0x9;
	_ =	strace $0x80000048  }
0xb3: {  	_ =	swait.ge [sflag:s29], $0x1  }
0xb4: {  	[sflag:s29] =	ssyncadd.s32 $0xFFFFFFFF  }
0xb5: {  	_ =	strace $0x90000048  }
0xb6: {  	_ =	sfence  }
0xb7: {  	s30 =	sld [smem:$0x0];
	_ =	sdelay $0x2  }
0xb8: {  	s31 =	sshll.u32 s1, $0xD;
	s1 =	sshrl.u32 s1, $0x2  }
0xb9: {  	s3 =	sand.u32 $0x4000, s31;
	s1 =	sadd.s32 s1, s30  }
0xba: {  	s0 =	sor.u32 s3, s0;
	s1 =	sshll.u32 s1, $0x11  }
0xbb: {  	s0 =	sor.u32 s1, s0  }
0xbc: {  	s0 =	sadd.s32 $0x8F2B, s0  }
0xbd: {  	[sflag:s0] =	ssyncadd.remote.s32 $0x1  }
0xbe: {  	_ =	sfence.sel $0xFFFF  }
0xbf: {  	[dreg:$0x0] =	wrdreg $0xFFFFFFFF;
	(pc) =	sbr.abs _section_cstart, $3  }
0xc0: {  	[dreg:$0x1] =	wrdreg $0xFFFFFFFF  }
0xc1: {  	_ =	task.clear_ibuf [dreg:s7], $0x2FFFF;
	_ =	strace $0x9FFFFFFF  }
0xc2: {  	(tm) =	ssettm $0x7FFFFFFF  }
0xc3: {  	_ =	shalt  }
tec
execute0_lowered:
.L_overlay_start_1:
0x0: {  	(tag) =	ssettag $0x1  }
0x1: {  	s3 =	rddreg [dreg:$0x0]  }
0x2: {  	s4 =	rddreg [dreg:$0x1]  }
0x3: {  	s0 =	rddreg [dreg:$0x2]  }
0x4: {  	s5 =	srdreg.scid;
	s1 =	stileid.u32  }
0x5: {  	s2 =	simm.s32 $0x0;
	s5 =	sand.u32 $0x1, s5;
	s6 =	sshll.u32 s1, $0x1  }
0x6: {  	[smem:$0x7FF] =	sst s2;
	s7 =	sshll.u32 s1, $0xD;
	s6 =	sor.u32 s5, s6  }
0x7: {  	s5 =	ssub.s32 $0x2, s5;
	s7 =	sand.u32 $0x18000, s7;
	_ =	strace $0x80000047  }
0x8: {  	v0 =	vlaneseq.u32;
	s8 =	sshll.u32 s6, $0x4;
	s9 =	sshrl.u32 s5, $0x1;
	s3 =	sadd.s32 s3, s7  }
0x9: {  	vm0 =	vcmask $0x300;
	v1 =	vor.u32 $0x10, v0;
	s4 =	sadd.s32 s4, s6;
	s6 =	simm.s32 $0x1;
	s7 =	simm.s32 $0x10000  }
0xa: {  	v2 =	vor.u32 $0x20, v0;
	v3 =	vor.u32 $0x30, v0;
	v4 =	vor.u32 $0x40, v0;
	s8 =	sand.u32 $0x70, s8;
	s5 =	ssub.s32 s5, s9;
	s9 =	simm.s32 $0x0  }
0xb: {  	v5 =	vor.u32 $0x50, v0;
	v6 =	vor.u32 $0x60, v0;
	v7 =	vor.u32 $0x70, v0;
	s3 =	sadd.s32 s8, s3;
	s5 =	smax.u32 s5, $0x1;
	s8 =	simm.s32 $0x2  }
.LBB2_1:
0xc: {  	s10 =	simm.s32 $0x80  }
0xd: {  	s13 =	sadd.s32 $0x0, s3;
	s11 =	simm.s32 $0x100;
	s12 =	simm.s32 $0x0  }
.LBB2_2:
0xe: {  	[tilespmem:s12], [sflag:$0x1] =	stream.linear.gather [hbm4b:s13+s2], $0x80, $0x38;
	[tilespmem:$0x10080] =	vst v63  }
0xf: {  	s13 =	smov.u32 s10;
	s12 =	smov.u32 s11;
	p0 =	sne.s32 s10, $0x7F80  }
.Ltmp0:
0x10: {  	s10 =	sadd.s32 $0x80, s10;
	(pc) =	sbr.rel @p0 .LBB2_2-.Ltmp0, $2  }
0x11: {  	_ =	sdelay $0x2  }
0x12: {  	s11 =	sadd.s32 $0x100, s11;
	s13 =	sadd.s32 s13, s3  }
0x13: {  	[tilespmem:s12], [sflag:$0x1] =	stream.linear.gather [hbm4b:s13+s2], $0x80, $0x38;
	[tilespmem:$0x10080] =	vst v63  }
0x14: {  	_ =	swait.ge [sflag:s6], $0x8000  }
0x15: {  	[sflag:s6] =	ssyncset.done $0x0  }
0x16: {  	s10 =	simm.s32 $0x40;
	[sflag:s6] =	ssyncadd.s32 $0xFFFF8000  }
0x17: {  	v8 =	vld [tilespmem:s10+$0xFFFFFFF0]  }
0x18: {  	v9 =	vld [tilespmem:s10+$0xFFFFFFC0]  }
0x19: {  	v11 =	vld [tilespmem:s10+$0x30]  }
0x1a: {  	v19 =	vld [tilespmem:s10+$0x20]  }
0x1b: {  	v20 =	vld [tilespmem:s10+$0xFFFFFFE0]  }
0x1c: {  	v24 =	vld [tilespmem:s10+$0x0]  }
0x1d: {  	v28 =	vld [tilespmem:s10+$0xFFFFFFD0]  }
0x1e: {  	v10 =	vimm.f32 $+Inf;
	v13 =	vld [tilespmem:s10+$0x10]  }
0x1f: {  	v27 =	vimm.s32 $0x0;
	s31 =	simm.s32 $0x140;
	vm1 =	vlt.f32 v8, v10;
	vm2 =	vlt.f32 v9, v10  }
0x20: {  	v23 =	vld [tilespmem:s31+$0xFFFFFFF0];
	v8 =	vmin.f32 v8, v10;
	v9 =	vmin.f32 v9, v10;
	v12 =	vmin.f32 v11, v10  }
0x21: {  	s30 =	simm.s32 $0x0;
	v25 =	vld [tilespmem:s31+$0xFFFFFFC0];
	v15 =	vmin.f32 v19, v10;
	v16 =	vmin.f32 v20, v10;
	vm3 =	vlt.f32 v19, v10  }
0x22: {  	vm4 =	vlt.f32 v28, v10;
	v26 =	vmin.f32 v24, v10;
	v30 =	vsel vm2, s30, v27  }
0x23: {  	v21 =	vld [tilespmem:s31+$0x30];
	vm2 =	vlt.f32 v13, v10;
	v13 =	vmin.f32 v13, v10;
	v17 =	vsel vm1, s30, v27  }
0x24: {  	v32 =	vld [tilespmem:s31+$0x10];
	vm1 =	vlt.f32 v24, v10;
	v14 =	vsel vm2, s30, v27;
	vm2 =	vlt.f32 v11, v10  }
0x25: {  	v22 =	vld [tilespmem:s31+$0x20];
	v19 =	vsel vm1, s30, v27;
	vm1 =	vlt.f32 v23, v8;
	v8 =	vmin.f32 v23, v8  }
0x26: {  	v29 =	vld [tilespmem:s31+$0xFFFFFFE0];
	v23 =	vsel vm4, s30, v27;
	v11 =	vmin.f32 v25, v9;
	v18 =	vsel vm2, s30, v27  }
0x27: {  	s10 =	simm.s32 $0x1;
	vm2 =	vlt.f32 v20, v10;
	v20 =	vsel vm3, s30, v27;
	vm3 =	vlt.f32 v25, v9;
	v25 =	vld [tilespmem:s31+$0x0]  }
0x28: {  	s11 =	simm.s32 $0x2;
	s12 =	simm.s32 $0x240;
	v31 =	vld [tilespmem:s31+$0xFFFFFFD0];
	v33 =	vmovc v16;
	v9 =	vmin.f32 v21, v12;
	v24 =	vsel vm3, s10, v30;
	v27 =	vsel vm2, s30, v27;
	v30 =	vmovc v15  }
.LBB2_4:
0x29: {  	v34 =	vld [tilespmem:s12+$0xFFFFFFF0];
	p0 =	sne.s32 s11, $0xFF;
	vm2 =	vlt.f32 v32, v13;
	v13 =	vmin.f32 v32, v13;
	v10 =	vmin.f32 v28, v10;
	s13 =	smov.u32 s11;
	s11 =	sadd.s32 $0x1, s11  }
0x2a: {  	v35 =	vld [tilespmem:s12+$0xFFFFFFC0];
	v14 =	vsel vm2, s10, v14;
	v15 =	vmin.f32 v22, v15;
	vm2 =	vlt.f32 v21, v12;
	v12 =	vmovc v9  }
0x2b: {  	v17 =	vsel vm1, s10, v17;
	v21 =	vld [tilespmem:s12+$0x30];
	v16 =	vmin.f32 v29, v16;
	v18 =	vsel vm2, s10, v18  }
.Ltmp1:
0x2c: {  	vm3 =	vlt.f32 v22, v30;
	vm2 =	vlt.f32 v29, v33;
	v30 =	vmovc v15;
	v32 =	vld [tilespmem:s12+$0x10];
	vm1 =	vlt.f32 v25, v26;
	(pc) =	sbr.rel @p0 .LBB2_4-.Ltmp1, $4  }
0x2d: {  	v20 =	vsel vm3, s10, v20;
	v33 =	vmovc v16;
	v22 =	vld [tilespmem:s12+$0x20];
	vm4 =	vlt.f32 v31, v10;
	v19 =	vsel vm1, s10, v19;
	v28 =	vmovc v31  }
0x2e: {  	v29 =	vld [tilespmem:s12+$0xFFFFFFE0];
	vm1 =	vlt.f32 v34, v8;
	v8 =	vmin.f32 v34, v8;
	v23 =	vsel vm4, s10, v23  }
0x2f: {  	v26 =	vmin.f32 v25, v26;
	vm3 =	vlt.f32 v35, v11;
	v11 =	vmin.f32 v35, v11;
	v25 =	vld [tilespmem:s12+$0x0]  }
0x30: {  	v27 =	vsel vm2, s10, v27;
	s10 =	smov.u32 s13;
	v24 =	vsel vm3, s13, v24;
	v31 =	vld [tilespmem:s12+$0xFFFFFFD0];
	v9 =	vmin.f32 v21, v9;
	s12 =	sadd.s32 $0x100, s12  }
0x31: {  	vm2 =	vlt.f32 v32, v13;
	v48 =	vmin.f32 v32, v13;
	v10 =	vmin.f32 v28, v10  }
0x32: {  	v50 =	vsel vm1, s10, v17;
	v57 =	vshll.u32 v24, $0x7;
	v14 =	vsel vm2, s10, v14  }
0x33: {  	v15 =	vmin.f32 v22, v15;
	vm2 =	vlt.f32 v21, v12;
	vm3 =	vlt.f32 v22, v30  }
0x34: {  	v49 =	vmin.f32 v29, v16;
	v51 =	vsel vm2, s10, v18;
	vm1 =	vlt.f32 v29, v33  }
0x35: {  	v53 =	vsel vm3, s10, v20;
	v16 =	vshll.u32 v50, $0x7;
	v14 =	vshll.u32 v14, $0x7  }
0x36: {  	vm2 =	vlt.f32 v25, v26;
	v55 =	vmin.f32 v25, v26;
	v56 =	vsel vm1, s10, v27  }
0x37: {  	v16 =	vor.u32 v3, v16;
	v14 =	vor.u32 v5, v14;
	v17 =	vshll.u32 v51, $0x7  }
0x38: {  	vm4 =	vlt.f32 v31, v10;
	v52 =	vsel vm2, s10, v19;
	v10 =	vmin.f32 v31, v10  }
0x39: {  	v22 =	vshll.u32 v56, $0x7;
	v19 =	vshll.u32 v53, $0x7;
	v54 =	vsel vm4, s10, v23  }
0x3a: {  	v17 =	vor.u32 v7, v17;
	v23 =	vor.u32 v0, v57;
	v20 =	vshll.u32 v54, $0x7  }
0x3b: {  	v22 =	vor.u32 v2, v22;
	v18 =	vshll.u32 v52, $0x7;
	v20 =	vor.u32 v1, v20  }
0x3c: {  	vm1 =	veq.f32 v10, v11;
	vm3 =	vlt.f32 v10, v11;
	vm2 =	vlt.s32 v20, v23  }
0x3d: {  	v19 =	vor.u32 v6, v19;
	v18 =	vor.u32 v4, v18;
	vm1 =	vmand vm1, vm2  }
0x3e: {  	vm12 =	vlt.s32 v14, v18;
	vm2 =	veq.f32 v8, v49;
	vm1 =	vmor vm3, vm1  }
0x3f: {  	vm3 =	vlt.s32 v16, v22;
	v10 =	vsel vm1, v10, v11;
	v58 =	vsel vm1, v20, v23  }
0x40: {  	vm1 =	vlt.f32 v8, v49;
	vm2 =	vmand vm2, vm3;
	vm3 =	veq.f32 v48, v55  }
0x41: {  	vm1 =	vmor vm1, vm2;
	vm2 =	vlt.f32 v48, v55;
	vm3 =	vmand vm3, vm12  }
0x42: {  	vm14 =	vlt.f32 v9, v15;
	vm13 =	vlt.s32 v17, v19;
	vm2 =	vmor vm2, vm3  }
0x43: {  	vm3 =	veq.f32 v9, v15;
	v8 =	vsel vm1, v8, v49;
	v59 =	vsel vm1, v16, v22  }
0x44: {  	vm3 =	vmand vm3, vm13;
	v13 =	vsel vm2, v48, v55;
	v14 =	vsel vm2, v14, v18  }
0x45: {  	vm2 =	veq.f32 v8, v10;
	vm1 =	vmor vm14, vm3;
	vm3 =	vlt.s32 v59, v58  }
0x46: {  	v60 =	vsel vm1, v9, v15;
	v61 =	vsel vm1, v17, v19;
	vm1 =	vlt.f32 v8, v10  }
0x47: {  	vm2 =	vmand vm2, vm3;
	vm3 =	veq.f32 v60, v13;
	vm15 =	vlt.s32 v61, v14  }
0x48: {  	vm1 =	vmor vm1, vm2;
	vm2 =	vlt.f32 v60, v13;
	vm3 =	vmand vm3, vm15  }
0x49: {  	v8 =	vsel vm1, v8, v10;
	vm2 =	vmor vm2, vm3  }
0x4a: {  	v62 =	vsel vm1, v59, v58;
	v9 =	vsel vm2, v60, v13;
	v63 =	vsel vm2, v61, v14  }
0x4b: {  	vm1 =	veq.f32 v9, v8;
	vm2 =	vlt.s32 v63, v62  }
0x4c: {  	vm3 =	vlt.f32 v9, v8;
	vm1 =	vmand vm1, vm2  }
0x4d: {  	vm1 =	vmor vm3, vm1  }
0x4e: {  	v9 =	vsel vm1, v9, v8  }
0x4f: {  	v8 =	vsel vm1, v63, v62;
	(v2sf) =	vpush v9, $0x0  }
0x50: {  	(v2sf) =	vpush v8, $0x0;
	_ =	sdelay $0x1  }
0x51: {  	(v2sf) =	vpush v9, $0x1  }
0x52: {  	(v2sf) =	vpush v8, $0x1;
	_ =	sdelay $0x4  }
0x53: {  	(v2sf) =	vpush v9, $0x2  }
0x54: {  	(v2sf) =	vpush v8, $0x2;
	_ =	sdelay $0x4  }
0x55: {  	s11 =	spop (v2sf);
	(v2sf) =	vpush v9, $0x3  }
0x56: {  	s10 =	spop (v2sf);
	(v2sf) =	vpush v8, $0x3;
	_ =	sdelay $0x1  }
0x57: {  	s12 =	spop (v2sf)  }
0x58: {  	s13 =	spop (v2sf);
	p0 =	seq.f32 s12, s11  }
0x59: {  	p1 =	slt.s32 s13, s10  }
0x5a: {  	(v2sf) =	vpush v9, $0x4;
	p2 =	slt.f32 s12, s11;
	p0 =	por !p0, !p1  }
0x5b: {  	p0 =	por !p0, !p0  }
0x5c: {  	p0 =	por p2, p0  }
0x5d: {  	(v2sf) =	vpush v8, $0x4;
	s11 =	smov.u32 @p0 s12;
	s12 =	spop (v2sf)  }
0x5e: {  	s10 =	smov.u32 @p0 s13;
	s13 =	spop (v2sf);
	p4 =	seq.f32 s12, s11  }
0x5f: {  	p5 =	slt.s32 s13, s10  }
0x60: {  	p6 =	slt.f32 s12, s11;
	p0 =	por !p4, !p5  }
0x61: {  	p0 =	por !p0, !p0  }
0x62: {  	(v2sf) =	vpush v9, $0x5;
	p0 =	por p6, p0  }
0x63: {  	(v2sf) =	vpush v8, $0x5;
	s11 =	smov.u32 @p0 s12;
	s12 =	spop (v2sf)  }
0x64: {  	s10 =	smov.u32 @p0 s13;
	s13 =	spop (v2sf);
	p1 =	seq.f32 s12, s11  }
0x65: {  	p2 =	slt.s32 s13, s10  }
0x66: {  	p3 =	slt.f32 s12, s11;
	p0 =	por !p1, !p2  }
0x67: {  	p0 =	por !p0, !p0  }
0x68: {  	(v2sf) =	vpush v9, $0x6;
	p0 =	por p3, p0  }
0x69: {  	s11 =	smov.u32 @p0 s12;
	s12 =	spop (v2sf);
	(v2sf) =	vpush v8, $0x6;
	_ =	sdelay $0x2  }
0x6a: {  	s10 =	smov.u32 @p0 s13;
	s13 =	spop (v2sf);
	p4 =	seq.f32 s12, s11  }
0x6b: {  	p5 =	slt.s32 s13, s10  }
0x6c: {  	p6 =	slt.f32 s12, s11;
	(v2sf) =	vpush v9, $0x7;
	p0 =	por !p4, !p5  }
0x6d: {  	p0 =	por !p0, !p0  }
0x6e: {  	p0 =	por p6, p0  }
0x6f: {  	s11 =	smov.u32 @p0 s12;
	s12 =	spop (v2sf);
	(v2sf) =	vpush v8, $0x7  }
0x70: {  	s10 =	smov.u32 @p0 s13;
	s13 =	spop (v2sf);
	p1 =	seq.f32 s12, s11  }
0x71: {  	p2 =	slt.s32 s13, s10  }
0x72: {  	p3 =	slt.f32 s12, s11;
	p0 =	por !p1, !p2  }
0x73: {  	p0 =	por !p0, !p0  }
0x74: {  	(v2sf) =	vpush v9, $0x8;
	p0 =	por p3, p0  }
0x75: {  	s11 =	smov.u32 @p0 s12;
	s12 =	spop (v2sf);
	(v2sf) =	vpush v8, $0x8  }
0x76: {  	s10 =	smov.u32 @p0 s13;
	p4 =	seq.f32 s12, s11;
	s13 =	spop (v2sf)  }
0x77: {  	p5 =	slt.s32 s13, s10  }
0x78: {  	p6 =	slt.f32 s12, s11;
	p0 =	por !p4, !p5  }
0x79: {  	p0 =	por !p0, !p0  }
0x7a: {  	(v2sf) =	vpush v9, $0x9;
	p0 =	por p6, p0  }
0x7b: {  	s11 =	smov.u32 @p0 s12;
	s12 =	spop (v2sf);
	(v2sf) =	vpush v8, $0x9;
	_ =	sdelay $0x2  }
0x7c: {  	s10 =	smov.u32 @p0 s13;
	s13 =	spop (v2sf);
	p1 =	seq.f32 s12, s11  }
0x7d: {  	p2 =	slt.s32 s13, s10  }
0x7e: {  	p3 =	slt.f32 s12, s11;
	(v2sf) =	vpush v9, $0xA;
	p0 =	por !p1, !p2  }
0x7f: {  	p0 =	por !p0, !p0  }
0x80: {  	p0 =	por p3, p0  }
0x81: {  	s11 =	smov.u32 @p0 s12;
	s12 =	spop (v2sf);
	(v2sf) =	vpush v8, $0xA  }
0x82: {  	s10 =	smov.u32 @p0 s13;
	s13 =	spop (v2sf);
	p4 =	seq.f32 s12, s11  }
0x83: {  	p5 =	slt.s32 s13, s10  }
0x84: {  	p6 =	slt.f32 s12, s11;
	p0 =	por !p4, !p5  }
0x85: {  	p0 =	por !p0, !p0  }
0x86: {  	(v2sf) =	vpush v9, $0xB;
	p0 =	por p6, p0  }
0x87: {  	s11 =	smov.u32 @p0 s12;
	s12 =	spop (v2sf);
	(v2sf) =	vpush v8, $0xB  }
0x88: {  	s10 =	smov.u32 @p0 s13;
	p1 =	seq.f32 s12, s11;
	s13 =	spop (v2sf)  }
0x89: {  	p2 =	slt.s32 s13, s10  }
0x8a: {  	p3 =	slt.f32 s12, s11;
	p0 =	por !p1, !p2  }
0x8b: {  	p0 =	por !p0, !p0  }
0x8c: {  	(v2sf) =	vpush v9, $0xC;
	p0 =	por p3, p0  }
0x8d: {  	s11 =	smov.u32 @p0 s12;
	s12 =	spop (v2sf);
	(v2sf) =	vpush v8, $0xC;
	_ =	sdelay $0x2  }
0x8e: {  	s10 =	smov.u32 @p0 s13;
	s13 =	spop (v2sf);
	p4 =	seq.f32 s12, s11  }
0x8f: {  	p5 =	slt.s32 s13, s10  }
0x90: {  	p6 =	slt.f32 s12, s11;
	(v2sf) =	vpush v9, $0xD;
	p0 =	por !p4, !p5  }
0x91: {  	(v2sf) =	vpush v8, $0xD;
	p0 =	por !p0, !p0  }
0x92: {  	p0 =	por p6, p0  }
0x93: {  	s11 =	smov.u32 @p0 s12;
	s12 =	spop (v2sf)  }
0x94: {  	s10 =	smov.u32 @p0 s13;
	s13 =	spop (v2sf);
	p1 =	seq.f32 s12, s11  }
0x95: {  	p2 =	slt.s32 s13, s10  }
0x96: {  	(v2sf) =	vpush v9, $0xE;
	p3 =	slt.f32 s12, s11;
	p0 =	por !p1, !p2  }
0x97: {  	(v2sf) =	vpush v8, $0xE;
	p0 =	por !p0, !p0  }
0x98: {  	p0 =	por p3, p0  }
0x99: {  	s11 =	smov.u32 @p0 s12;
	s12 =	spop (v2sf)  }
0x9a: {  	s10 =	smov.u32 @p0 s13;
	p4 =	seq.f32 s12, s11;
	s13 =	spop (v2sf)  }
0x9b: {  	(v2sf) =	vpush v9, $0xF;
	p5 =	slt.s32 s13, s10  }
0x9c: {  	p6 =	slt.f32 s12, s11;
	(v2sf) =	vpush v8, $0xF;
	p0 =	por !p4, !p5  }
0x9d: {  	p0 =	por !p0, !p0  }
0x9e: {  	p0 =	por p6, p0  }
0x9f: {  	s14 =	spop (v2sf);
	s11 =	smov.u32 @p0 s12  }
0xa0: {  	s12 =	spop (v2sf);
	s10 =	smov.u32 @p0 s13;
	p1 =	seq.f32 s14, s11  }
0xa1: {  	p2 =	slt.s32 s12, s10  }
0xa2: {  	p3 =	slt.f32 s14, s11;
	p0 =	por !p1, !p2  }
0xa3: {  	p0 =	por !p0, !p0  }
0xa4: {  	p0 =	por p3, p0  }
0xa5: {  	s13 =	spop (v2sf);
	s11 =	smov.u32 @p0 s14  }
0xa6: {  	s14 =	spop (v2sf);
	s10 =	smov.u32 @p0 s12;
	p4 =	seq.f32 s13, s11  }
0xa7: {  	p5 =	slt.s32 s14, s10  }
0xa8: {  	p6 =	slt.f32 s13, s11;
	p0 =	por !p4, !p5  }
0xa9: {  	p0 =	por !p0, !p0  }
0xaa: {  	s31 =	spop (v2sf);
	p0 =	por p6, p0  }
0xab: {  	s11 =	smov.u32 @p0 s13;
	s10 =	smov.u32 @p0 s14;
	s13 =	spop (v2sf)  }
0xac: {  	p0 =	seq.f32 s31, s11;
	p1 =	slt.s32 s13, s10;
	s14 =	smov.u32 s10  }
0xad: {  	p2 =	slt.f32 s31, s11;
	s14 =	smov.u32 @p1 s13  }
0xae: {  	s10 =	smov.u32 @p0 s14  }
0xaf: {  	s10 =	smov.u32 @p2 s13  }
0xb0: {  	s9 =	sadd.s32 $0x1, s9;
	v8 =	vmov s10  }
0xb1: {  	p0 =	sne.s32 s9, s5;
	v8 =	vnsel vm0, $0x0, v8  }
.Ltmp2:
0xb2: {  	[tilespmem:$0x10000] =	vst v8;
	(pc) =	sbr.rel @p0 .LBB2_1-.Ltmp2, $4  }
0xb3: {  	[hbm4b:s4+s2] =	stream.linear.scatter [tilespmem:s7], [sflag:$0x2], $0x8, $0x38;
	[tilespmem:$0x10080] =	vst v63  }
0xb4: {  	_ =	swait.ge [sflag:s8], $0x8  }
0xb5: {  	[sflag:s8] =	ssyncset.done $0x0  }
0xb6: {  	[sflag:s8] =	ssyncadd.s32 $0xFFFFFFF8  }
0xb7: {  	_ =	sfence.sel $0x180000  }
0xb8: {  	[bflag:$0x0] =	sbarrier.arrive $0xFFFF  }
0xb9: {  	p0 =	sne.s32 s1, $0x0;
	_ =	strace $0x90000047  }
0xba: {  	s0 =	sadd.s32 @!p0 $0x100000, s0;
	[bflag:$0x2] =	sbarrier.arrive $0xFFFF  }
0xbb: {  	[sflag:s0] =	ssyncadd.tile.s32 @!p0 $0x1;
	_ =	shalt  }
.Lfunc_end2:
_tile_overlayer_lowered:
.L_overlay_start_2:
0xbc: {  	(tag) =	ssettag $0x2  }
0xbd: {  	s0 =	rddreg [dreg:$0x0];
	s2 =	stileid.u32  }
0xbe: {  	s1 =	rddreg [dreg:$0x1];
	p0 =	sne.s32 s2, $0x0  }
0xbf: {  	s3 =	rddreg [dreg:$0x2];
	[bflag:$0x3] =	sbarrier.arrive $0xFFFF;
	s2 =	simm.s32 @!p0 $0x1C02  }
0xc0: {  	[timem:s3], [sflag:s2] =	dma.local @!p0 [hbm:s0], s1  }
0xc1: {  	s0 =	simm.s32 @!p0 $0x2  }
0xc2: {  	_ =	swait.ge @!p0 [sflag:s0], s1  }
0xc3: {  	s1 =	ssub.s32 @!p0 $0x0, s1;
	[sflag:s0] =	ssyncset.done @!p0 $0x0  }
0xc4: {  	[sflag:s0] =	ssyncadd.s32 @!p0 s1  }
0xc5: {  	[bflag:$0x3] =	sbarrier.arrive $0xFFFF  }
0xc6: {  	_ =	shalt  }

</sc_bundles>
